<compile_context>
chip_gen: v7x
topology: tpu7x:2x2x1
jax: 0.10.2.dev20260603
libtpu: 0.0.44.dev20260713+nightly
codegen_flags: <defaults>
</compile_context>

<pallas_src>
import numpy as np
import jax
import jax.numpy as jnp
from jax import lax
from jax.experimental import pallas as pl
from jax.experimental.pallas import tpu as pltpu
from jax.experimental.pallas import tpu_sc as plsc

_MAX_LEN = 200
_D = 64
_B = 1024
_NW = 32
_SEQ_PER_W = _B // _NW
_CH0 = 104
_CH1 = _MAX_LEN - _CH0
_NBUF = 4


def _pe_table():
    position = np.expand_dims(np.arange(0, _MAX_LEN), axis=1).astype(np.float64)
    index = np.expand_dims(np.arange(0, _D, 2), axis=0).astype(np.float64)
    angle = position / np.power(1000.0, (index - index % 2) / float(_D))
    pe = np.zeros((_MAX_LEN, _D))
    pe[:, 0::2] = np.sin(angle)
    pe[:, 1::2] = np.cos(angle)
    return pe.astype(np.float32)


_PE = _pe_table()


def _body(idx_hbm, table_hbm, pe_hbm, out_hbm, pe_v, idx_v, rows_v, *sems):
    g_sems = sems[:_NBUF]
    s_sems = sems[_NBUF:]
    wid = lax.axis_index("s") * 2 + lax.axis_index("c")
    seq0 = wid * _SEQ_PER_W
    pltpu.sync_copy(pe_hbm, pe_v)
    pltpu.sync_copy(
        idx_hbm.at[pl.ds(pl.multiple_of(seq0 * _MAX_LEN, 8),
                         _SEQ_PER_W * _MAX_LEN)], idx_v)

    def fire_gather(g, p):
        base = pl.multiple_of(g * _MAX_LEN, 8)
        base1 = pl.multiple_of(g * _MAX_LEN + _CH0, 8)
        pltpu.async_copy(table_hbm.at[idx_v.at[pl.ds(base, _CH0)]],
                         rows_v.at[p, pl.ds(0, _CH0)], g_sems[p])
        pltpu.async_copy(table_hbm.at[idx_v.at[pl.ds(base1, _CH1)]],
                         rows_v.at[p, pl.ds(_CH0, _CH1)], g_sems[p])

    def drain_gather(p):
        pltpu.make_async_copy(table_hbm.at[pl.ds(0, _MAX_LEN)],
                              rows_v.at[p], g_sems[p]).wait()

    def drain_store(p):
        pltpu.make_async_copy(rows_v.at[p, :, pl.ds(0, _D)],
                              out_hbm.at[pl.ds(0, _MAX_LEN)],
                              s_sems[p]).wait()

    for p in range(_NBUF - 1):
        fire_gather(p, p)

    def step(h, carry):
        for p in range(_NBUF):
            g = h * _NBUF + p
            drain_gather(p)

            @plsc.parallel_loop(0, _MAX_LEN, unroll=4)
            def add_row(j):
                for k in range(_D // 16):
                    s = pl.ds(k * 16, 16)
                    rows_v[p, j, s] = rows_v[p, j, s] + pe_v[j, s]

            ob = pl.multiple_of((seq0 + g) * _MAX_LEN, 8)
            pltpu.async_copy(rows_v.at[p, :, pl.ds(0, _D)],
                             out_hbm.at[pl.ds(ob, _MAX_LEN)], s_sems[p])

            q = (p + _NBUF - 1) % _NBUF

            @pl.when(g >= 1)
            def _():
                drain_store(q)

            @pl.when(g + _NBUF - 1 < _SEQ_PER_W)
            def _():
                fire_gather(g + _NBUF - 1, q)
        return carry

    lax.fori_loop(0, _SEQ_PER_W // _NBUF, step, 0)
    drain_store(_NBUF - 1)


def kernel(input, table):
    mesh = plsc.VectorSubcoreMesh(core_axis_name="c", subcore_axis_name="s")
    f = pl.kernel(
        _body,
        out_type=jax.ShapeDtypeStruct((_B * _MAX_LEN, _D), jnp.float32),
        mesh=mesh,
        compiler_params=pltpu.CompilerParams(use_tc_tiling_on_sc=False),
        scratch_types=[
            pltpu.VMEM((_MAX_LEN, _D), jnp.float32),
            pltpu.VMEM((_SEQ_PER_W * _MAX_LEN,), jnp.int32),
            pltpu.VMEM((_NBUF, _MAX_LEN, 2 * _D), jnp.float32),
        ] + [pltpu.SemaphoreType.DMA] * (2 * _NBUF),
    )
    table128 = jnp.pad(table, ((0, 0), (0, _D)))
    out = f(input.reshape(-1), table128, jnp.asarray(_PE))
    return out.reshape(_B, _MAX_LEN, _D)

# --- scband reference (transcript-rebuilt; emitter-appended) ---
"""Pipeline reference for scband-position-encoding-68015102100251 (READ-ONLY COPY).

The authoritative reference and input builder live on the scoring server;
editing this copy changes nothing except your own understanding.
"""

import jax, jax.numpy as jnp
import numpy as np

MAX_LEN = 200
VOCAB = 1000000
D_MODEL = 64
BATCH = 1024


def _make_pe():
    # Faithful to the original numpy computation (note base 1000, not 10000)
    position = np.expand_dims(np.arange(0, MAX_LEN), axis=1).astype(np.float64)
    index = np.expand_dims(np.arange(0, D_MODEL, 2), axis=0).astype(np.float64)
    angle = position / np.power(1000.0, (index - index % 2) / float(D_MODEL))
    pe = np.zeros((MAX_LEN, D_MODEL))
    pe[:, 0::2] = np.sin(angle)
    pe[:, 1::2] = np.cos(angle)
    return jnp.asarray(pe, dtype=jnp.float32)


def setup_inputs(seed: int = 0) -> dict:
    key = jax.random.key(seed)
    k1, k2 = jax.random.split(key)
    inp = jax.random.randint(k1, (BATCH, MAX_LEN), 0, VOCAB, dtype=jnp.int32)
    # Embedding table (learned parameter of tf.keras.layers.Embedding)
    table = jax.random.normal(k2, (VOCAB, D_MODEL), dtype=jnp.float32) * 0.05
    return {"input": inp, "table": table}


def reference(input, table):
    pe = _make_pe()  # [MAX_LEN, D_MODEL]
    emb = jnp.take(table, input, axis=0)  # [B, MAX_LEN, D_MODEL]
    return pe[None, :, :] + emb

if __name__ == "__main__":
    import jax
    _d = setup_inputs()
    print(jax.jit(kernel)(*tuple(_d.values())))

</pallas_src>

<mosaic_0001>
#map = affine_map<(d0, d1) -> (0)>
#map1 = affine_map<(d0, d1) -> (0, 0)>
module attributes {stable_mosaic.version = 14 : i64} {
  func.func @_body(%arg0: i32, %arg1: i32, %arg2: memref<204800xi32, #tpu.memory_space<hbm>>, %arg3: memref<1000000x128xf32, #tpu.memory_space<hbm>>, %arg4: memref<200x64xf32, #tpu.memory_space<hbm>>, %arg5: memref<204800x64xf32, #tpu.memory_space<hbm>>, %arg6: memref<200x64xf32, #tpu.memory_space<vmem>>, %arg7: memref<6400xi32, #tpu.memory_space<vmem>>, %arg8: memref<4x200x128xf32, #tpu.memory_space<vmem>>, %arg9: memref<!tpu.dma_semaphore, #tpu.memory_space<semaphore_mem>>, %arg10: memref<!tpu.dma_semaphore, #tpu.memory_space<semaphore_mem>>, %arg11: memref<!tpu.dma_semaphore, #tpu.memory_space<semaphore_mem>>, %arg12: memref<!tpu.dma_semaphore, #tpu.memory_space<semaphore_mem>>, %arg13: memref<!tpu.dma_semaphore, #tpu.memory_space<semaphore_mem>>, %arg14: memref<!tpu.dma_semaphore, #tpu.memory_space<semaphore_mem>>, %arg15: memref<!tpu.dma_semaphore, #tpu.memory_space<semaphore_mem>>, %arg16: memref<!tpu.dma_semaphore, #tpu.memory_space<semaphore_mem>>) attributes {dimension_semantics = [#tpu.dimension_semantics<core_parallel>, #tpu.dimension_semantics<subcore_parallel>], iteration_bounds = array<i64: 2, 16>, scalar_prefetch = 0 : i64, scratch_operands = 11 : i64, tpu.core_type = #tpu.core_type<sc_vector_subcore>, window_params = [{transform_indices = #map}, {transform_indices = #map1}, {transform_indices = #map1}, {transform_indices = #map1}]} {
    %mul3A = arith.constant 2 : i32
    %mul3A_0 = arith.muli %arg1, %mul3A : i32
    %add3A = arith.addi %mul3A_0, %arg0 : i32
    %mul3A_1 = arith.constant 32 : i32
    %mul3A_2 = arith.muli %add3A, %mul3A_1 : i32
    "tpu.region"() ({
      %run_scoped3A = tpu.sem_alloc : memref<!tpu.dma_semaphore, #tpu.memory_space<semaphore_mem>>
      tpu.enqueue_dma source(%arg4 : memref<200x64xf32, #tpu.memory_space<hbm>>) target(%arg6 : memref<200x64xf32, #tpu.memory_space<vmem>>) target_semaphore(%run_scoped3A : memref<!tpu.dma_semaphore, #tpu.memory_space<semaphore_mem>>)
      tpu.wait_dma2 semaphore(%run_scoped3A : memref<!tpu.dma_semaphore, #tpu.memory_space<semaphore_mem>>) src(%arg4 : memref<200x64xf32, #tpu.memory_space<hbm>>) dst(%arg6 : memref<200x64xf32, #tpu.memory_space<vmem>>)
      tpu.yield
    }) : () -> ()
    %mul3A_3 = arith.constant 200 : i32
    %mul3A_4 = arith.muli %mul3A_2, %mul3A_3 : i32
    %multiple_of3A = tpu.assume_multiple %mul3A_4, 8 : i32
    "tpu.region"() ({
      %run_scoped3A = tpu.sem_alloc : memref<!tpu.dma_semaphore, #tpu.memory_space<semaphore_mem>>
      %dma_start3A_89 = tpu.memref_slice %arg2[%multiple_of3A] : memref<204800xi32, #tpu.memory_space<hbm>> -> memref<6400xi32, #tpu.memory_space<hbm>>
      %dma_start3A_90 = tpu.memref_slice %arg2[%multiple_of3A] : memref<204800xi32, #tpu.memory_space<hbm>> -> memref<6400xi32, #tpu.memory_space<hbm>>
      tpu.enqueue_dma source(%dma_start3A_90 : memref<6400xi32, #tpu.memory_space<hbm>>) target(%arg7 : memref<6400xi32, #tpu.memory_space<vmem>>) target_semaphore(%run_scoped3A : memref<!tpu.dma_semaphore, #tpu.memory_space<semaphore_mem>>)
      %dma_wait3A_91 = tpu.memref_slice %arg2[%multiple_of3A] : memref<204800xi32, #tpu.memory_space<hbm>> -> memref<6400xi32, #tpu.memory_space<hbm>>
      %dma_wait3A_92 = tpu.memref_slice %arg2[%multiple_of3A] : memref<204800xi32, #tpu.memory_space<hbm>> -> memref<6400xi32, #tpu.memory_space<hbm>>
      tpu.wait_dma2 semaphore(%run_scoped3A : memref<!tpu.dma_semaphore, #tpu.memory_space<semaphore_mem>>) src(%dma_wait3A_92 : memref<6400xi32, #tpu.memory_space<hbm>>) dst(%arg7 : memref<6400xi32, #tpu.memory_space<vmem>>)
      tpu.yield
    }) : () -> ()
    %multiple_of3A_5 = arith.constant 0 : i32
    %multiple_of3A_6 = tpu.assume_multiple %multiple_of3A_5, 8 : i32
    %multiple_of3A_7 = arith.constant 104 : i32
    %multiple_of3A_8 = tpu.assume_multiple %multiple_of3A_7, 8 : i32
    %dma_start3A = arith.constant 0 : i32
    %dma_start3A_9 = arith.constant 0 : i32
    %dma_start3A_10 = arith.constant 0 : i32
    %dma_start3A_11 = tpu.memref_slice %arg8[%dma_start3A, %dma_start3A_9, %dma_start3A_10] : memref<4x200x128xf32, #tpu.memory_space<vmem>> -> memref<1x104x128xf32, #tpu.memory_space<vmem>>
    %dma_start3A_12 = tpu.memref_squeeze %dma_start3A_11 : memref<1x104x128xf32, #tpu.memory_space<vmem>> -> memref<104x128xf32, #tpu.memory_space<vmem>>
    %dma_start3A_13 = tpu.memref_slice %arg7[%multiple_of3A_6] : memref<6400xi32, #tpu.memory_space<vmem>> -> memref<104xi32, #tpu.memory_space<vmem>>
    %dma_start3A_14 = arith.constant 0 : i32
    %dma_start3A_15 = arith.constant 0 : i32
    %dma_start3A_16 = tpu.memref_slice %arg3[%dma_start3A_14, %dma_start3A_15] : memref<1000000x128xf32, #tpu.memory_space<hbm>> -> memref<1000000x128xf32, #tpu.memory_space<hbm>>
    tpu.enqueue_indirect_dma source(%dma_start3A_16 : memref<1000000x128xf32, #tpu.memory_space<hbm>>) target(%dma_start3A_12 : memref<104x128xf32, #tpu.memory_space<vmem>>) offsets(%dma_start3A_13 : memref<104xi32, #tpu.memory_space<vmem>>) semaphore(%arg9 : memref<!tpu.dma_semaphore, #tpu.memory_space<semaphore_mem>>)
    %dma_start3A_17 = arith.constant 0 : i32
    %dma_start3A_18 = arith.constant 104 : i32
    %dma_start3A_19 = arith.constant 0 : i32
    %dma_start3A_20 = tpu.memref_slice %arg8[%dma_start3A_17, %dma_start3A_18, %dma_start3A_19] : memref<4x200x128xf32, #tpu.memory_space<vmem>> -> memref<1x96x128xf32, #tpu.memory_space<vmem>>
    %dma_start3A_21 = tpu.memref_squeeze %dma_start3A_20 : memref<1x96x128xf32, #tpu.memory_space<vmem>> -> memref<96x128xf32, #tpu.memory_space<vmem>>
    %dma_start3A_22 = tpu.memref_slice %arg7[%multiple_of3A_8] : memref<6400xi32, #tpu.memory_space<vmem>> -> memref<96xi32, #tpu.memory_space<vmem>>
    %dma_start3A_23 = arith.constant 0 : i32
    %dma_start3A_24 = arith.constant 0 : i32
    %dma_start3A_25 = tpu.memref_slice %arg3[%dma_start3A_23, %dma_start3A_24] : memref<1000000x128xf32, #tpu.memory_space<hbm>> -> memref<1000000x128xf32, #tpu.memory_space<hbm>>
    tpu.enqueue_indirect_dma source(%dma_start3A_25 : memref<1000000x128xf32, #tpu.memory_space<hbm>>) target(%dma_start3A_21 : memref<96x128xf32, #tpu.memory_space<vmem>>) offsets(%dma_start3A_22 : memref<96xi32, #tpu.memory_space<vmem>>) semaphore(%arg9 : memref<!tpu.dma_semaphore, #tpu.memory_space<semaphore_mem>>)
    %multiple_of3A_26 = arith.constant 200 : i32
    %multiple_of3A_27 = tpu.assume_multiple %multiple_of3A_26, 8 : i32
    %multiple_of3A_28 = arith.constant 304 : i32
    %multiple_of3A_29 = tpu.assume_multiple %multiple_of3A_28, 8 : i32
    %dma_start3A_30 = arith.constant 1 : i32
    %dma_start3A_31 = arith.constant 0 : i32
    %dma_start3A_32 = arith.constant 0 : i32
    %dma_start3A_33 = tpu.memref_slice %arg8[%dma_start3A_30, %dma_start3A_31, %dma_start3A_32] : memref<4x200x128xf32, #tpu.memory_space<vmem>> -> memref<1x104x128xf32, #tpu.memory_space<vmem>>
    %dma_start3A_34 = tpu.memref_squeeze %dma_start3A_33 : memref<1x104x128xf32, #tpu.memory_space<vmem>> -> memref<104x128xf32, #tpu.memory_space<vmem>>
    %dma_start3A_35 = tpu.memref_slice %arg7[%multiple_of3A_27] : memref<6400xi32, #tpu.memory_space<vmem>> -> memref<104xi32, #tpu.memory_space<vmem>>
    %dma_start3A_36 = arith.constant 0 : i32
    %dma_start3A_37 = arith.constant 0 : i32
    %dma_start3A_38 = tpu.memref_slice %arg3[%dma_start3A_36, %dma_start3A_37] : memref<1000000x128xf32, #tpu.memory_space<hbm>> -> memref<1000000x128xf32, #tpu.memory_space<hbm>>
    tpu.enqueue_indirect_dma source(%dma_start3A_38 : memref<1000000x128xf32, #tpu.memory_space<hbm>>) target(%dma_start3A_34 : memref<104x128xf32, #tpu.memory_space<vmem>>) offsets(%dma_start3A_35 : memref<104xi32, #tpu.memory_space<vmem>>) semaphore(%arg10 : memref<!tpu.dma_semaphore, #tpu.memory_space<semaphore_mem>>)
    %dma_start3A_39 = arith.constant 1 : i32
    %dma_start3A_40 = arith.constant 104 : i32
    %dma_start3A_41 = arith.constant 0 : i32
    %dma_start3A_42 = tpu.memref_slice %arg8[%dma_start3A_39, %dma_start3A_40, %dma_start3A_41] : memref<4x200x128xf32, #tpu.memory_space<vmem>> -> memref<1x96x128xf32, #tpu.memory_space<vmem>>
    %dma_start3A_43 = tpu.memref_squeeze %dma_start3A_42 : memref<1x96x128xf32, #tpu.memory_space<vmem>> -> memref<96x128xf32, #tpu.memory_space<vmem>>
    %dma_start3A_44 = tpu.memref_slice %arg7[%multiple_of3A_29] : memref<6400xi32, #tpu.memory_space<vmem>> -> memref<96xi32, #tpu.memory_space<vmem>>
    %dma_start3A_45 = arith.constant 0 : i32
    %dma_start3A_46 = arith.constant 0 : i32
    %dma_start3A_47 = tpu.memref_slice %arg3[%dma_start3A_45, %dma_start3A_46] : memref<1000000x128xf32, #tpu.memory_space<hbm>> -> memref<1000000x128xf32, #tpu.memory_space<hbm>>
    tpu.enqueue_indirect_dma source(%dma_start3A_47 : memref<1000000x128xf32, #tpu.memory_space<hbm>>) target(%dma_start3A_43 : memref<96x128xf32, #tpu.memory_space<vmem>>) offsets(%dma_start3A_44 : memref<96xi32, #tpu.memory_space<vmem>>) semaphore(%arg10 : memref<!tpu.dma_semaphore, #tpu.memory_space<semaphore_mem>>)
    %multiple_of3A_48 = arith.constant 400 : i32
    %multiple_of3A_49 = tpu.assume_multiple %multiple_of3A_48, 8 : i32
    %multiple_of3A_50 = arith.constant 504 : i32
    %multiple_of3A_51 = tpu.assume_multiple %multiple_of3A_50, 8 : i32
    %dma_start3A_52 = arith.constant 2 : i32
    %dma_start3A_53 = arith.constant 0 : i32
    %dma_start3A_54 = arith.constant 0 : i32
    %dma_start3A_55 = tpu.memref_slice %arg8[%dma_start3A_52, %dma_start3A_53, %dma_start3A_54] : memref<4x200x128xf32, #tpu.memory_space<vmem>> -> memref<1x104x128xf32, #tpu.memory_space<vmem>>
    %dma_start3A_56 = tpu.memref_squeeze %dma_start3A_55 : memref<1x104x128xf32, #tpu.memory_space<vmem>> -> memref<104x128xf32, #tpu.memory_space<vmem>>
    %dma_start3A_57 = tpu.memref_slice %arg7[%multiple_of3A_49] : memref<6400xi32, #tpu.memory_space<vmem>> -> memref<104xi32, #tpu.memory_space<vmem>>
    %dma_start3A_58 = arith.constant 0 : i32
    %dma_start3A_59 = arith.constant 0 : i32
    %dma_start3A_60 = tpu.memref_slice %arg3[%dma_start3A_58, %dma_start3A_59] : memref<1000000x128xf32, #tpu.memory_space<hbm>> -> memref<1000000x128xf32, #tpu.memory_space<hbm>>
    tpu.enqueue_indirect_dma source(%dma_start3A_60 : memref<1000000x128xf32, #tpu.memory_space<hbm>>) target(%dma_start3A_56 : memref<104x128xf32, #tpu.memory_space<vmem>>) offsets(%dma_start3A_57 : memref<104xi32, #tpu.memory_space<vmem>>) semaphore(%arg11 : memref<!tpu.dma_semaphore, #tpu.memory_space<semaphore_mem>>)
    %dma_start3A_61 = arith.constant 2 : i32
    %dma_start3A_62 = arith.constant 104 : i32
    %dma_start3A_63 = arith.constant 0 : i32
    %dma_start3A_64 = tpu.memref_slice %arg8[%dma_start3A_61, %dma_start3A_62, %dma_start3A_63] : memref<4x200x128xf32, #tpu.memory_space<vmem>> -> memref<1x96x128xf32, #tpu.memory_space<vmem>>
    %dma_start3A_65 = tpu.memref_squeeze %dma_start3A_64 : memref<1x96x128xf32, #tpu.memory_space<vmem>> -> memref<96x128xf32, #tpu.memory_space<vmem>>
    %dma_start3A_66 = tpu.memref_slice %arg7[%multiple_of3A_51] : memref<6400xi32, #tpu.memory_space<vmem>> -> memref<96xi32, #tpu.memory_space<vmem>>
    %dma_start3A_67 = arith.constant 0 : i32
    %dma_start3A_68 = arith.constant 0 : i32
    %dma_start3A_69 = tpu.memref_slice %arg3[%dma_start3A_67, %dma_start3A_68] : memref<1000000x128xf32, #tpu.memory_space<hbm>> -> memref<1000000x128xf32, #tpu.memory_space<hbm>>
    tpu.enqueue_indirect_dma source(%dma_start3A_69 : memref<1000000x128xf32, #tpu.memory_space<hbm>>) target(%dma_start3A_65 : memref<96x128xf32, #tpu.memory_space<vmem>>) offsets(%dma_start3A_66 : memref<96xi32, #tpu.memory_space<vmem>>) semaphore(%arg11 : memref<!tpu.dma_semaphore, #tpu.memory_space<semaphore_mem>>)
    %scan3A = arith.constant 0 : i32
    %scan3A_70 = arith.constant 0 : i32
    %scan3A_71 = arith.constant 8 : i32
    %scan3A_72 = arith.addi %scan3A_70, %scan3A_71 : i32
    %scan3A_73 = arith.constant 1 : i32
    scf.for %scan3A_89 = %scan3A_70 to %scan3A_72 step %scan3A_73  : i32 {
      %mul3A_90 = arith.constant 4 : i32
      %mul3A_91 = arith.muli %scan3A_89, %mul3A_90 : i32
      %add3A_92 = arith.constant 0 : i32
      %add3A_93 = arith.addi %mul3A_91, %add3A_92 : i32
      %dma_wait3A_94 = arith.constant 0 : i32
      %dma_wait3A_95 = arith.constant 0 : i32
      %dma_wait3A_96 = arith.constant 0 : i32
      %dma_wait3A_97 = tpu.memref_slice %arg8[%dma_wait3A_94, %dma_wait3A_95, %dma_wait3A_96] : memref<4x200x128xf32, #tpu.memory_space<vmem>> -> memref<1x200x128xf32, #tpu.memory_space<vmem>>
      %dma_wait3A_98 = tpu.memref_squeeze %dma_wait3A_97 : memref<1x200x128xf32, #tpu.memory_space<vmem>> -> memref<200x128xf32, #tpu.memory_space<vmem>>
      %dma_wait3A_99 = arith.constant 0 : i32
      %dma_wait3A_100 = arith.constant 0 : i32
      %dma_wait3A_101 = tpu.memref_slice %arg3[%dma_wait3A_99, %dma_wait3A_100] : memref<1000000x128xf32, #tpu.memory_space<hbm>> -> memref<200x128xf32, #tpu.memory_space<hbm>>
      %dma_wait3A_102 = arith.constant 0 : i32
      %dma_wait3A_103 = arith.constant 0 : i32
      %dma_wait3A_104 = tpu.memref_slice %arg8[%dma_wait3A_94, %dma_wait3A_102, %dma_wait3A_103] : memref<4x200x128xf32, #tpu.memory_space<vmem>> -> memref<1x200x128xf32, #tpu.memory_space<vmem>>
      %dma_wait3A_105 = tpu.memref_squeeze %dma_wait3A_104 : memref<1x200x128xf32, #tpu.memory_space<vmem>> -> memref<200x128xf32, #tpu.memory_space<vmem>>
      %dma_wait3A_106 = arith.constant 0 : i32
      %dma_wait3A_107 = arith.constant 0 : i32
      %dma_wait3A_108 = tpu.memref_slice %arg3[%dma_wait3A_106, %dma_wait3A_107] : memref<1000000x128xf32, #tpu.memory_space<hbm>> -> memref<200x128xf32, #tpu.memory_space<hbm>>
      tpu.wait_dma2 semaphore(%arg9 : memref<!tpu.dma_semaphore, #tpu.memory_space<semaphore_mem>>) src(%dma_wait3A_108 : memref<200x128xf32, #tpu.memory_space<hbm>>) dst(%dma_wait3A_105 : memref<200x128xf32, #tpu.memory_space<vmem>>)
      %parallel_loop3A = arith.constant 0 : i32
      %parallel_loop3A_109 = arith.constant 200 : i32
      %parallel_loop3A_110 = arith.constant 1 : i32
      scf.for %parallel_loop3A_296 = %parallel_loop3A to %parallel_loop3A_109 step %parallel_loop3A_110  : i32 {
        %parallel_loop3A_297 = arith.constant 0 : i32
        %parallel_loop3A_298 = arith.index_cast %parallel_loop3A_297 : i32 to index
        %parallel_loop3A_299 = arith.index_cast %parallel_loop3A_296 : i32 to index
        %parallel_loop3A_300 = arith.constant 0 : index
        %parallel_loop3A_301 = tpu.vector_load %arg8[%parallel_loop3A_298, %parallel_loop3A_299, %parallel_loop3A_300] {strides = array<i32>} : memref<4x200x128xf32, #tpu.memory_space<vmem>>, vector<1x1x16xf32>,
        %parallel_loop3A_302 = vector.shape_cast %parallel_loop3A_301 : vector<1x1x16xf32> to vector<16xf32>
        %parallel_loop3A_303 = arith.index_cast %parallel_loop3A_296 : i32 to index
        %parallel_loop3A_304 = arith.constant 0 : index
        %parallel_loop3A_305 = tpu.vector_load %arg6[%parallel_loop3A_303, %parallel_loop3A_304] {strides = array<i32>} : memref<200x64xf32, #tpu.memory_space<vmem>>, vector<1x16xf32>,
        %parallel_loop3A_306 = vector.shape_cast %parallel_loop3A_305 : vector<1x16xf32> to vector<16xf32>
        %parallel_loop3A_307 = arith.addf %parallel_loop3A_302, %parallel_loop3A_306 : vector<16xf32>
        %parallel_loop3A_308 = arith.constant 0 : i32
        %parallel_loop3A_309 = arith.index_cast %parallel_loop3A_308 : i32 to index
        %parallel_loop3A_310 = arith.index_cast %parallel_loop3A_296 : i32 to index
        %parallel_loop3A_311 = arith.constant 0 : index
        %parallel_loop3A_312 = tpu.vector_load %arg8[%parallel_loop3A_309, %parallel_loop3A_310, %parallel_loop3A_311] {strides = array<i32>} : memref<4x200x128xf32, #tpu.memory_space<vmem>>, vector<1x1x16xf32>,
        %parallel_loop3A_313 = vector.shape_cast %parallel_loop3A_312 : vector<1x1x16xf32> to vector<16xf32>
        %parallel_loop3A_314 = vector.shape_cast %parallel_loop3A_307 : vector<16xf32> to vector<1x1x16xf32>
        tpu.vector_store %arg8[%parallel_loop3A_309, %parallel_loop3A_310, %parallel_loop3A_311], %parallel_loop3A_314 {strides = array<i32>} : memref<4x200x128xf32, #tpu.memory_space<vmem>>, vector<1x1x16xf32>,
        %parallel_loop3A_315 = arith.constant 0 : i32
        %parallel_loop3A_316 = arith.index_cast %parallel_loop3A_315 : i32 to index
        %parallel_loop3A_317 = arith.index_cast %parallel_loop3A_296 : i32 to index
        %parallel_loop3A_318 = arith.constant 16 : index
        %parallel_loop3A_319 = tpu.vector_load %arg8[%parallel_loop3A_316, %parallel_loop3A_317, %parallel_loop3A_318] {strides = array<i32>} : memref<4x200x128xf32, #tpu.memory_space<vmem>>, vector<1x1x16xf32>,
        %parallel_loop3A_320 = vector.shape_cast %parallel_loop3A_319 : vector<1x1x16xf32> to vector<16xf32>
        %parallel_loop3A_321 = arith.index_cast %parallel_loop3A_296 : i32 to index
        %parallel_loop3A_322 = arith.constant 16 : index
        %parallel_loop3A_323 = tpu.vector_load %arg6[%parallel_loop3A_321, %parallel_loop3A_322] {strides = array<i32>} : memref<200x64xf32, #tpu.memory_space<vmem>>, vector<1x16xf32>,
        %parallel_loop3A_324 = vector.shape_cast %parallel_loop3A_323 : vector<1x16xf32> to vector<16xf32>
        %parallel_loop3A_325 = arith.addf %parallel_loop3A_320, %parallel_loop3A_324 : vector<16xf32>
        %parallel_loop3A_326 = arith.constant 0 : i32
        %parallel_loop3A_327 = arith.index_cast %parallel_loop3A_326 : i32 to index
        %parallel_loop3A_328 = arith.index_cast %parallel_loop3A_296 : i32 to index
        %parallel_loop3A_329 = arith.constant 16 : index
        %parallel_loop3A_330 = tpu.vector_load %arg8[%parallel_loop3A_327, %parallel_loop3A_328, %parallel_loop3A_329] {strides = array<i32>} : memref<4x200x128xf32, #tpu.memory_space<vmem>>, vector<1x1x16xf32>,
        %parallel_loop3A_331 = vector.shape_cast %parallel_loop3A_330 : vector<1x1x16xf32> to vector<16xf32>
        %parallel_loop3A_332 = vector.shape_cast %parallel_loop3A_325 : vector<16xf32> to vector<1x1x16xf32>
        tpu.vector_store %arg8[%parallel_loop3A_327, %parallel_loop3A_328, %parallel_loop3A_329], %parallel_loop3A_332 {strides = array<i32>} : memref<4x200x128xf32, #tpu.memory_space<vmem>>, vector<1x1x16xf32>,
        %parallel_loop3A_333 = arith.constant 0 : i32
        %parallel_loop3A_334 = arith.index_cast %parallel_loop3A_333 : i32 to index
        %parallel_loop3A_335 = arith.index_cast %parallel_loop3A_296 : i32 to index
        %parallel_loop3A_336 = arith.constant 32 : index
        %parallel_loop3A_337 = tpu.vector_load %arg8[%parallel_loop3A_334, %parallel_loop3A_335, %parallel_loop3A_336] {strides = array<i32>} : memref<4x200x128xf32, #tpu.memory_space<vmem>>, vector<1x1x16xf32>,
        %parallel_loop3A_338 = vector.shape_cast %parallel_loop3A_337 : vector<1x1x16xf32> to vector<16xf32>
        %parallel_loop3A_339 = arith.index_cast %parallel_loop3A_296 : i32 to index
        %parallel_loop3A_340 = arith.constant 32 : index
        %parallel_loop3A_341 = tpu.vector_load %arg6[%parallel_loop3A_339, %parallel_loop3A_340] {strides = array<i32>} : memref<200x64xf32, #tpu.memory_space<vmem>>, vector<1x16xf32>,
        %parallel_loop3A_342 = vector.shape_cast %parallel_loop3A_341 : vector<1x16xf32> to vector<16xf32>
        %parallel_loop3A_343 = arith.addf %parallel_loop3A_338, %parallel_loop3A_342 : vector<16xf32>
        %parallel_loop3A_344 = arith.constant 0 : i32
        %parallel_loop3A_345 = arith.index_cast %parallel_loop3A_344 : i32 to index
        %parallel_loop3A_346 = arith.index_cast %parallel_loop3A_296 : i32 to index
        %parallel_loop3A_347 = arith.constant 32 : index
        %parallel_loop3A_348 = tpu.vector_load %arg8[%parallel_loop3A_345, %parallel_loop3A_346, %parallel_loop3A_347] {strides = array<i32>} : memref<4x200x128xf32, #tpu.memory_space<vmem>>, vector<1x1x16xf32>,
        %parallel_loop3A_349 = vector.shape_cast %parallel_loop3A_348 : vector<1x1x16xf32> to vector<16xf32>
        %parallel_loop3A_350 = vector.shape_cast %parallel_loop3A_343 : vector<16xf32> to vector<1x1x16xf32>
        tpu.vector_store %arg8[%parallel_loop3A_345, %parallel_loop3A_346, %parallel_loop3A_347], %parallel_loop3A_350 {strides = array<i32>} : memref<4x200x128xf32, #tpu.memory_space<vmem>>, vector<1x1x16xf32>,
        %parallel_loop3A_351 = arith.constant 0 : i32
        %parallel_loop3A_352 = arith.index_cast %parallel_loop3A_351 : i32 to index
        %parallel_loop3A_353 = arith.index_cast %parallel_loop3A_296 : i32 to index
        %parallel_loop3A_354 = arith.constant 48 : index
        %parallel_loop3A_355 = tpu.vector_load %arg8[%parallel_loop3A_352, %parallel_loop3A_353, %parallel_loop3A_354] {strides = array<i32>} : memref<4x200x128xf32, #tpu.memory_space<vmem>>, vector<1x1x16xf32>,
        %parallel_loop3A_356 = vector.shape_cast %parallel_loop3A_355 : vector<1x1x16xf32> to vector<16xf32>
        %parallel_loop3A_357 = arith.index_cast %parallel_loop3A_296 : i32 to index
        %parallel_loop3A_358 = arith.constant 48 : index
        %parallel_loop3A_359 = tpu.vector_load %arg6[%parallel_loop3A_357, %parallel_loop3A_358] {strides = array<i32>} : memref<200x64xf32, #tpu.memory_space<vmem>>, vector<1x16xf32>,
        %parallel_loop3A_360 = vector.shape_cast %parallel_loop3A_359 : vector<1x16xf32> to vector<16xf32>
        %parallel_loop3A_361 = arith.addf %parallel_loop3A_356, %parallel_loop3A_360 : vector<16xf32>
        %parallel_loop3A_362 = arith.constant 0 : i32
        %parallel_loop3A_363 = arith.index_cast %parallel_loop3A_362 : i32 to index
        %parallel_loop3A_364 = arith.index_cast %parallel_loop3A_296 : i32 to index
        %parallel_loop3A_365 = arith.constant 48 : index
        %parallel_loop3A_366 = tpu.vector_load %arg8[%parallel_loop3A_363, %parallel_loop3A_364, %parallel_loop3A_365] {strides = array<i32>} : memref<4x200x128xf32, #tpu.memory_space<vmem>>, vector<1x1x16xf32>,
        %parallel_loop3A_367 = vector.shape_cast %parallel_loop3A_366 : vector<1x1x16xf32> to vector<16xf32>
        %parallel_loop3A_368 = vector.shape_cast %parallel_loop3A_361 : vector<16xf32> to vector<1x1x16xf32>
        tpu.vector_store %arg8[%parallel_loop3A_363, %parallel_loop3A_364, %parallel_loop3A_365], %parallel_loop3A_368 {strides = array<i32>} : memref<4x200x128xf32, #tpu.memory_space<vmem>>, vector<1x1x16xf32>,
      } {sc.loop_unroll_factor = 4 : i64, sc.parallel_access}
      %add3A_111 = arith.addi %mul3A_2, %add3A_93 : i32
      %mul3A_112 = arith.constant 200 : i32
      %mul3A_113 = arith.muli %add3A_111, %mul3A_112 : i32
      %multiple_of3A_114 = tpu.assume_multiple %mul3A_113, 8 : i32
      %dma_start3A_115 = arith.constant 0 : i32
      %dma_start3A_116 = arith.constant 0 : i32
      %dma_start3A_117 = arith.constant 0 : i32
      %dma_start3A_118 = tpu.memref_slice %arg8[%dma_start3A_115, %dma_start3A_116, %dma_start3A_117] : memref<4x200x128xf32, #tpu.memory_space<vmem>> -> memref<1x200x64xf32, #tpu.memory_space<vmem>>
      %dma_start3A_119 = tpu.memref_squeeze %dma_start3A_118 : memref<1x200x64xf32, #tpu.memory_space<vmem>> -> memref<200x64xf32, #tpu.memory_space<vmem>>
      %dma_start3A_120 = arith.constant 0 : i32
      %dma_start3A_121 = tpu.memref_slice %arg5[%multiple_of3A_114, %dma_start3A_120] : memref<204800x64xf32, #tpu.memory_space<hbm>> -> memref<200x64xf32, #tpu.memory_space<hbm>>
      %dma_start3A_122 = arith.constant 0 : i32
      %dma_start3A_123 = tpu.memref_slice %arg5[%multiple_of3A_114, %dma_start3A_122] : memref<204800x64xf32, #tpu.memory_space<hbm>> -> memref<200x64xf32, #tpu.memory_space<hbm>>
      %dma_start3A_124 = arith.constant 0 : i32
      %dma_start3A_125 = arith.constant 0 : i32
      %dma_start3A_126 = tpu.memref_slice %arg8[%dma_start3A_115, %dma_start3A_124, %dma_start3A_125] : memref<4x200x128xf32, #tpu.memory_space<vmem>> -> memref<1x200x64xf32, #tpu.memory_space<vmem>>
      %dma_start3A_127 = tpu.memref_squeeze %dma_start3A_126 : memref<1x200x64xf32, #tpu.memory_space<vmem>> -> memref<200x64xf32, #tpu.memory_space<vmem>>
      tpu.enqueue_dma source(%dma_start3A_127 : memref<200x64xf32, #tpu.memory_space<vmem>>) target(%dma_start3A_123 : memref<200x64xf32, #tpu.memory_space<hbm>>) target_semaphore(%arg13 : memref<!tpu.dma_semaphore, #tpu.memory_space<semaphore_mem>>)
      %ge3A = arith.constant 1 : i32
      %ge3A_128 = arith.cmpi sge, %add3A_93, %ge3A : i32
      %convert_element_type3A = arith.extui %ge3A_128 : i1 to i32
      %cond3A = arith.constant 0 : i32
      %cond3A_129 = arith.cmpi ne, %convert_element_type3A, %cond3A : i32
      scf.if %cond3A_129 {
        %dma_wait3A_296 = arith.constant 3 : i32
        %dma_wait3A_297 = arith.constant 0 : i32
        %dma_wait3A_298 = arith.constant 0 : i32
        %dma_wait3A_299 = tpu.memref_slice %arg8[%dma_wait3A_296, %dma_wait3A_297, %dma_wait3A_298] : memref<4x200x128xf32, #tpu.memory_space<vmem>> -> memref<1x200x64xf32, #tpu.memory_space<vmem>>
        %dma_wait3A_300 = tpu.memref_squeeze %dma_wait3A_299 : memref<1x200x64xf32, #tpu.memory_space<vmem>> -> memref<200x64xf32, #tpu.memory_space<vmem>>
        %dma_wait3A_301 = arith.constant 0 : i32
        %dma_wait3A_302 = arith.constant 0 : i32
        %dma_wait3A_303 = tpu.memref_slice %arg5[%dma_wait3A_301, %dma_wait3A_302] : memref<204800x64xf32, #tpu.memory_space<hbm>> -> memref<200x64xf32, #tpu.memory_space<hbm>>
        %dma_wait3A_304 = arith.constant 0 : i32
        %dma_wait3A_305 = arith.constant 0 : i32
        %dma_wait3A_306 = tpu.memref_slice %arg5[%dma_wait3A_304, %dma_wait3A_305] : memref<204800x64xf32, #tpu.memory_space<hbm>> -> memref<200x64xf32, #tpu.memory_space<hbm>>
        %dma_wait3A_307 = arith.constant 0 : i32
        %dma_wait3A_308 = arith.constant 0 : i32
        %dma_wait3A_309 = tpu.memref_slice %arg8[%dma_wait3A_296, %dma_wait3A_307, %dma_wait3A_308] : memref<4x200x128xf32, #tpu.memory_space<vmem>> -> memref<1x200x64xf32, #tpu.memory_space<vmem>>
        %dma_wait3A_310 = tpu.memref_squeeze %dma_wait3A_309 : memref<1x200x64xf32, #tpu.memory_space<vmem>> -> memref<200x64xf32, #tpu.memory_space<vmem>>
        tpu.wait_dma2 semaphore(%arg16 : memref<!tpu.dma_semaphore, #tpu.memory_space<semaphore_mem>>) src(%dma_wait3A_310 : memref<200x64xf32, #tpu.memory_space<vmem>>) dst(%dma_wait3A_306 : memref<200x64xf32, #tpu.memory_space<hbm>>)
      } else {
      }
      %add3A_130 = arith.constant 4 : i32
      %add3A_131 = arith.addi %add3A_93, %add3A_130 : i32
      %sub3A = arith.constant 1 : i32
      %sub3A_132 = arith.subi %add3A_131, %sub3A : i32
      %lt3A = arith.constant 32 : i32
      %lt3A_133 = arith.cmpi slt, %sub3A_132, %lt3A : i32
      %convert_element_type3A_134 = arith.extui %lt3A_133 : i1 to i32
      %cond3A_135 = arith.constant 0 : i32
      %cond3A_136 = arith.cmpi ne, %convert_element_type3A_134, %cond3A_135 : i32
      scf.if %cond3A_136 {
        %add3A_296 = arith.constant 4 : i32
        %add3A_297 = arith.addi %add3A_93, %add3A_296 : i32
        %sub3A_298 = arith.constant 1 : i32
        %sub3A_299 = arith.subi %add3A_297, %sub3A_298 : i32
        %mul3A_300 = arith.constant 200 : i32
        %mul3A_301 = arith.muli %sub3A_299, %mul3A_300 : i32
        %multiple_of3A_302 = tpu.assume_multiple %mul3A_301, 8 : i32
        %mul3A_303 = arith.constant 200 : i32
        %mul3A_304 = arith.muli %sub3A_299, %mul3A_303 : i32
        %add3A_305 = arith.constant 104 : i32
        %add3A_306 = arith.addi %mul3A_304, %add3A_305 : i32
        %multiple_of3A_307 = tpu.assume_multiple %add3A_306, 8 : i32
        %dma_start3A_308 = arith.constant 3 : i32
        %dma_start3A_309 = arith.constant 0 : i32
        %dma_start3A_310 = arith.constant 0 : i32
        %dma_start3A_311 = tpu.memref_slice %arg8[%dma_start3A_308, %dma_start3A_309, %dma_start3A_310] : memref<4x200x128xf32, #tpu.memory_space<vmem>> -> memref<1x104x128xf32, #tpu.memory_space<vmem>>
        %dma_start3A_312 = tpu.memref_squeeze %dma_start3A_311 : memref<1x104x128xf32, #tpu.memory_space<vmem>> -> memref<104x128xf32, #tpu.memory_space<vmem>>
        %dma_start3A_313 = tpu.memref_slice %arg7[%multiple_of3A_302] : memref<6400xi32, #tpu.memory_space<vmem>> -> memref<104xi32, #tpu.memory_space<vmem>>
        %dma_start3A_314 = arith.constant 0 : i32
        %dma_start3A_315 = arith.constant 0 : i32
        %dma_start3A_316 = tpu.memref_slice %arg3[%dma_start3A_314, %dma_start3A_315] : memref<1000000x128xf32, #tpu.memory_space<hbm>> -> memref<1000000x128xf32, #tpu.memory_space<hbm>>
        tpu.enqueue_indirect_dma source(%dma_start3A_316 : memref<1000000x128xf32, #tpu.memory_space<hbm>>) target(%dma_start3A_312 : memref<104x128xf32, #tpu.memory_space<vmem>>) offsets(%dma_start3A_313 : memref<104xi32, #tpu.memory_space<vmem>>) semaphore(%arg12 : memref<!tpu.dma_semaphore, #tpu.memory_space<semaphore_mem>>)
        %dma_start3A_317 = arith.constant 3 : i32
        %dma_start3A_318 = arith.constant 104 : i32
        %dma_start3A_319 = arith.constant 0 : i32
        %dma_start3A_320 = tpu.memref_slice %arg8[%dma_start3A_317, %dma_start3A_318, %dma_start3A_319] : memref<4x200x128xf32, #tpu.memory_space<vmem>> -> memref<1x96x128xf32, #tpu.memory_space<vmem>>
        %dma_start3A_321 = tpu.memref_squeeze %dma_start3A_320 : memref<1x96x128xf32, #tpu.memory_space<vmem>> -> memref<96x128xf32, #tpu.memory_space<vmem>>
        %dma_start3A_322 = tpu.memref_slice %arg7[%multiple_of3A_307] : memref<6400xi32, #tpu.memory_space<vmem>> -> memref<96xi32, #tpu.memory_space<vmem>>
        %dma_start3A_323 = arith.constant 0 : i32
        %dma_start3A_324 = arith.constant 0 : i32
        %dma_start3A_325 = tpu.memref_slice %arg3[%dma_start3A_323, %dma_start3A_324] : memref<1000000x128xf32, #tpu.memory_space<hbm>> -> memref<1000000x128xf32, #tpu.memory_space<hbm>>
        tpu.enqueue_indirect_dma source(%dma_start3A_325 : memref<1000000x128xf32, #tpu.memory_space<hbm>>) target(%dma_start3A_321 : memref<96x128xf32, #tpu.memory_space<vmem>>) offsets(%dma_start3A_322 : memref<96xi32, #tpu.memory_space<vmem>>) semaphore(%arg12 : memref<!tpu.dma_semaphore, #tpu.memory_space<semaphore_mem>>)
      } else {
      }
      %mul3A_137 = arith.constant 4 : i32
      %mul3A_138 = arith.muli %scan3A_89, %mul3A_137 : i32
      %add3A_139 = arith.constant 1 : i32
      %add3A_140 = arith.addi %mul3A_138, %add3A_139 : i32
      %dma_wait3A_141 = arith.constant 1 : i32
      %dma_wait3A_142 = arith.constant 0 : i32
      %dma_wait3A_143 = arith.constant 0 : i32
      %dma_wait3A_144 = tpu.memref_slice %arg8[%dma_wait3A_141, %dma_wait3A_142, %dma_wait3A_143] : memref<4x200x128xf32, #tpu.memory_space<vmem>> -> memref<1x200x128xf32, #tpu.memory_space<vmem>>
      %dma_wait3A_145 = tpu.memref_squeeze %dma_wait3A_144 : memref<1x200x128xf32, #tpu.memory_space<vmem>> -> memref<200x128xf32, #tpu.memory_space<vmem>>
      %dma_wait3A_146 = arith.constant 0 : i32
      %dma_wait3A_147 = arith.constant 0 : i32
      %dma_wait3A_148 = tpu.memref_slice %arg3[%dma_wait3A_146, %dma_wait3A_147] : memref<1000000x128xf32, #tpu.memory_space<hbm>> -> memref<200x128xf32, #tpu.memory_space<hbm>>
      %dma_wait3A_149 = arith.constant 0 : i32
      %dma_wait3A_150 = arith.constant 0 : i32
      %dma_wait3A_151 = tpu.memref_slice %arg8[%dma_wait3A_141, %dma_wait3A_149, %dma_wait3A_150] : memref<4x200x128xf32, #tpu.memory_space<vmem>> -> memref<1x200x128xf32, #tpu.memory_space<vmem>>
      %dma_wait3A_152 = tpu.memref_squeeze %dma_wait3A_151 : memref<1x200x128xf32, #tpu.memory_space<vmem>> -> memref<200x128xf32, #tpu.memory_space<vmem>>
      %dma_wait3A_153 = arith.constant 0 : i32
      %dma_wait3A_154 = arith.constant 0 : i32
      %dma_wait3A_155 = tpu.memref_slice %arg3[%dma_wait3A_153, %dma_wait3A_154] : memref<1000000x128xf32, #tpu.memory_space<hbm>> -> memref<200x128xf32, #tpu.memory_space<hbm>>
      tpu.wait_dma2 semaphore(%arg10 : memref<!tpu.dma_semaphore, #tpu.memory_space<semaphore_mem>>) src(%dma_wait3A_155 : memref<200x128xf32, #tpu.memory_space<hbm>>) dst(%dma_wait3A_152 : memref<200x128xf32, #tpu.memory_space<vmem>>)
      %parallel_loop3A_156 = arith.constant 0 : i32
      %parallel_loop3A_157 = arith.constant 200 : i32
      %parallel_loop3A_158 = arith.constant 1 : i32
      scf.for %parallel_loop3A_296 = %parallel_loop3A_156 to %parallel_loop3A_157 step %parallel_loop3A_158  : i32 {
        %parallel_loop3A_297 = arith.constant 1 : i32
        %parallel_loop3A_298 = arith.index_cast %parallel_loop3A_297 : i32 to index
        %parallel_loop3A_299 = arith.index_cast %parallel_loop3A_296 : i32 to index
        %parallel_loop3A_300 = arith.constant 0 : index
        %parallel_loop3A_301 = tpu.vector_load %arg8[%parallel_loop3A_298, %parallel_loop3A_299, %parallel_loop3A_300] {strides = array<i32>} : memref<4x200x128xf32, #tpu.memory_space<vmem>>, vector<1x1x16xf32>,
        %parallel_loop3A_302 = vector.shape_cast %parallel_loop3A_301 : vector<1x1x16xf32> to vector<16xf32>
        %parallel_loop3A_303 = arith.index_cast %parallel_loop3A_296 : i32 to index
        %parallel_loop3A_304 = arith.constant 0 : index
        %parallel_loop3A_305 = tpu.vector_load %arg6[%parallel_loop3A_303, %parallel_loop3A_304] {strides = array<i32>} : memref<200x64xf32, #tpu.memory_space<vmem>>, vector<1x16xf32>,
        %parallel_loop3A_306 = vector.shape_cast %parallel_loop3A_305 : vector<1x16xf32> to vector<16xf32>
        %parallel_loop3A_307 = arith.addf %parallel_loop3A_302, %parallel_loop3A_306 : vector<16xf32>
        %parallel_loop3A_308 = arith.constant 1 : i32
        %parallel_loop3A_309 = arith.index_cast %parallel_loop3A_308 : i32 to index
        %parallel_loop3A_310 = arith.index_cast %parallel_loop3A_296 : i32 to index
        %parallel_loop3A_311 = arith.constant 0 : index
        %parallel_loop3A_312 = tpu.vector_load %arg8[%parallel_loop3A_309, %parallel_loop3A_310, %parallel_loop3A_311] {strides = array<i32>} : memref<4x200x128xf32, #tpu.memory_space<vmem>>, vector<1x1x16xf32>,
        %parallel_loop3A_313 = vector.shape_cast %parallel_loop3A_312 : vector<1x1x16xf32> to vector<16xf32>
        %parallel_loop3A_314 = vector.shape_cast %parallel_loop3A_307 : vector<16xf32> to vector<1x1x16xf32>
        tpu.vector_store %arg8[%parallel_loop3A_309, %parallel_loop3A_310, %parallel_loop3A_311], %parallel_loop3A_314 {strides = array<i32>} : memref<4x200x128xf32, #tpu.memory_space<vmem>>, vector<1x1x16xf32>,
        %parallel_loop3A_315 = arith.constant 1 : i32
        %parallel_loop3A_316 = arith.index_cast %parallel_loop3A_315 : i32 to index
        %parallel_loop3A_317 = arith.index_cast %parallel_loop3A_296 : i32 to index
        %parallel_loop3A_318 = arith.constant 16 : index
        %parallel_loop3A_319 = tpu.vector_load %arg8[%parallel_loop3A_316, %parallel_loop3A_317, %parallel_loop3A_318] {strides = array<i32>} : memref<4x200x128xf32, #tpu.memory_space<vmem>>, vector<1x1x16xf32>,
        %parallel_loop3A_320 = vector.shape_cast %parallel_loop3A_319 : vector<1x1x16xf32> to vector<16xf32>
        %parallel_loop3A_321 = arith.index_cast %parallel_loop3A_296 : i32 to index
        %parallel_loop3A_322 = arith.constant 16 : index
        %parallel_loop3A_323 = tpu.vector_load %arg6[%parallel_loop3A_321, %parallel_loop3A_322] {strides = array<i32>} : memref<200x64xf32, #tpu.memory_space<vmem>>, vector<1x16xf32>,
        %parallel_loop3A_324 = vector.shape_cast %parallel_loop3A_323 : vector<1x16xf32> to vector<16xf32>
        %parallel_loop3A_325 = arith.addf %parallel_loop3A_320, %parallel_loop3A_324 : vector<16xf32>
        %parallel_loop3A_326 = arith.constant 1 : i32
        %parallel_loop3A_327 = arith.index_cast %parallel_loop3A_326 : i32 to index
        %parallel_loop3A_328 = arith.index_cast %parallel_loop3A_296 : i32 to index
        %parallel_loop3A_329 = arith.constant 16 : index
        %parallel_loop3A_330 = tpu.vector_load %arg8[%parallel_loop3A_327, %parallel_loop3A_328, %parallel_loop3A_329] {strides = array<i32>} : memref<4x200x128xf32, #tpu.memory_space<vmem>>, vector<1x1x16xf32>,
        %parallel_loop3A_331 = vector.shape_cast %parallel_loop3A_330 : vector<1x1x16xf32> to vector<16xf32>
        %parallel_loop3A_332 = vector.shape_cast %parallel_loop3A_325 : vector<16xf32> to vector<1x1x16xf32>
        tpu.vector_store %arg8[%parallel_loop3A_327, %parallel_loop3A_328, %parallel_loop3A_329], %parallel_loop3A_332 {strides = array<i32>} : memref<4x200x128xf32, #tpu.memory_space<vmem>>, vector<1x1x16xf32>,
        %parallel_loop3A_333 = arith.constant 1 : i32
        %parallel_loop3A_334 = arith.index_cast %parallel_loop3A_333 : i32 to index
        %parallel_loop3A_335 = arith.index_cast %parallel_loop3A_296 : i32 to index
        %parallel_loop3A_336 = arith.constant 32 : index
        %parallel_loop3A_337 = tpu.vector_load %arg8[%parallel_loop3A_334, %parallel_loop3A_335, %parallel_loop3A_336] {strides = array<i32>} : memref<4x200x128xf32, #tpu.memory_space<vmem>>, vector<1x1x16xf32>,
        %parallel_loop3A_338 = vector.shape_cast %parallel_loop3A_337 : vector<1x1x16xf32> to vector<16xf32>
        %parallel_loop3A_339 = arith.index_cast %parallel_loop3A_296 : i32 to index
        %parallel_loop3A_340 = arith.constant 32 : index
        %parallel_loop3A_341 = tpu.vector_load %arg6[%parallel_loop3A_339, %parallel_loop3A_340] {strides = array<i32>} : memref<200x64xf32, #tpu.memory_space<vmem>>, vector<1x16xf32>,
        %parallel_loop3A_342 = vector.shape_cast %parallel_loop3A_341 : vector<1x16xf32> to vector<16xf32>
        %parallel_loop3A_343 = arith.addf %parallel_loop3A_338, %parallel_loop3A_342 : vector<16xf32>
        %parallel_loop3A_344 = arith.constant 1 : i32
        %parallel_loop3A_345 = arith.index_cast %parallel_loop3A_344 : i32 to index
        %parallel_loop3A_346 = arith.index_cast %parallel_loop3A_296 : i32 to index
        %parallel_loop3A_347 = arith.constant 32 : index
        %parallel_loop3A_348 = tpu.vector_load %arg8[%parallel_loop3A_345, %parallel_loop3A_346, %parallel_loop3A_347] {strides = array<i32>} : memref<4x200x128xf32, #tpu.memory_space<vmem>>, vector<1x1x16xf32>,
        %parallel_loop3A_349 = vector.shape_cast %parallel_loop3A_348 : vector<1x1x16xf32> to vector<16xf32>
        %parallel_loop3A_350 = vector.shape_cast %parallel_loop3A_343 : vector<16xf32> to vector<1x1x16xf32>
        tpu.vector_store %arg8[%parallel_loop3A_345, %parallel_loop3A_346, %parallel_loop3A_347], %parallel_loop3A_350 {strides = array<i32>} : memref<4x200x128xf32, #tpu.memory_space<vmem>>, vector<1x1x16xf32>,
        %parallel_loop3A_351 = arith.constant 1 : i32
        %parallel_loop3A_352 = arith.index_cast %parallel_loop3A_351 : i32 to index
        %parallel_loop3A_353 = arith.index_cast %parallel_loop3A_296 : i32 to index
        %parallel_loop3A_354 = arith.constant 48 : index
        %parallel_loop3A_355 = tpu.vector_load %arg8[%parallel_loop3A_352, %parallel_loop3A_353, %parallel_loop3A_354] {strides = array<i32>} : memref<4x200x128xf32, #tpu.memory_space<vmem>>, vector<1x1x16xf32>,
        %parallel_loop3A_356 = vector.shape_cast %parallel_loop3A_355 : vector<1x1x16xf32> to vector<16xf32>
        %parallel_loop3A_357 = arith.index_cast %parallel_loop3A_296 : i32 to index
        %parallel_loop3A_358 = arith.constant 48 : index
        %parallel_loop3A_359 = tpu.vector_load %arg6[%parallel_loop3A_357, %parallel_loop3A_358] {strides = array<i32>} : memref<200x64xf32, #tpu.memory_space<vmem>>, vector<1x16xf32>,
        %parallel_loop3A_360 = vector.shape_cast %parallel_loop3A_359 : vector<1x16xf32> to vector<16xf32>
        %parallel_loop3A_361 = arith.addf %parallel_loop3A_356, %parallel_loop3A_360 : vector<16xf32>
        %parallel_loop3A_362 = arith.constant 1 : i32
        %parallel_loop3A_363 = arith.index_cast %parallel_loop3A_362 : i32 to index
        %parallel_loop3A_364 = arith.index_cast %parallel_loop3A_296 : i32 to index
        %parallel_loop3A_365 = arith.constant 48 : index
        %parallel_loop3A_366 = tpu.vector_load %arg8[%parallel_loop3A_363, %parallel_loop3A_364, %parallel_loop3A_365] {strides = array<i32>} : memref<4x200x128xf32, #tpu.memory_space<vmem>>, vector<1x1x16xf32>,
        %parallel_loop3A_367 = vector.shape_cast %parallel_loop3A_366 : vector<1x1x16xf32> to vector<16xf32>
        %parallel_loop3A_368 = vector.shape_cast %parallel_loop3A_361 : vector<16xf32> to vector<1x1x16xf32>
        tpu.vector_store %arg8[%parallel_loop3A_363, %parallel_loop3A_364, %parallel_loop3A_365], %parallel_loop3A_368 {strides = array<i32>} : memref<4x200x128xf32, #tpu.memory_space<vmem>>, vector<1x1x16xf32>,
      } {sc.loop_unroll_factor = 4 : i64, sc.parallel_access}
      %add3A_159 = arith.addi %mul3A_2, %add3A_140 : i32
      %mul3A_160 = arith.constant 200 : i32
      %mul3A_161 = arith.muli %add3A_159, %mul3A_160 : i32
      %multiple_of3A_162 = tpu.assume_multiple %mul3A_161, 8 : i32
      %dma_start3A_163 = arith.constant 1 : i32
      %dma_start3A_164 = arith.constant 0 : i32
      %dma_start3A_165 = arith.constant 0 : i32
      %dma_start3A_166 = tpu.memref_slice %arg8[%dma_start3A_163, %dma_start3A_164, %dma_start3A_165] : memref<4x200x128xf32, #tpu.memory_space<vmem>> -> memref<1x200x64xf32, #tpu.memory_space<vmem>>
      %dma_start3A_167 = tpu.memref_squeeze %dma_start3A_166 : memref<1x200x64xf32, #tpu.memory_space<vmem>> -> memref<200x64xf32, #tpu.memory_space<vmem>>
      %dma_start3A_168 = arith.constant 0 : i32
      %dma_start3A_169 = tpu.memref_slice %arg5[%multiple_of3A_162, %dma_start3A_168] : memref<204800x64xf32, #tpu.memory_space<hbm>> -> memref<200x64xf32, #tpu.memory_space<hbm>>
      %dma_start3A_170 = arith.constant 0 : i32
      %dma_start3A_171 = tpu.memref_slice %arg5[%multiple_of3A_162, %dma_start3A_170] : memref<204800x64xf32, #tpu.memory_space<hbm>> -> memref<200x64xf32, #tpu.memory_space<hbm>>
      %dma_start3A_172 = arith.constant 0 : i32
      %dma_start3A_173 = arith.constant 0 : i32
      %dma_start3A_174 = tpu.memref_slice %arg8[%dma_start3A_163, %dma_start3A_172, %dma_start3A_173] : memref<4x200x128xf32, #tpu.memory_space<vmem>> -> memref<1x200x64xf32, #tpu.memory_space<vmem>>
      %dma_start3A_175 = tpu.memref_squeeze %dma_start3A_174 : memref<1x200x64xf32, #tpu.memory_space<vmem>> -> memref<200x64xf32, #tpu.memory_space<vmem>>
      tpu.enqueue_dma source(%dma_start3A_175 : memref<200x64xf32, #tpu.memory_space<vmem>>) target(%dma_start3A_171 : memref<200x64xf32, #tpu.memory_space<hbm>>) target_semaphore(%arg14 : memref<!tpu.dma_semaphore, #tpu.memory_space<semaphore_mem>>)
      %ge3A_176 = arith.constant 1 : i32
      %ge3A_177 = arith.cmpi sge, %add3A_140, %ge3A_176 : i32
      %convert_element_type3A_178 = arith.extui %ge3A_177 : i1 to i32
      %cond3A_179 = arith.constant 0 : i32
      %cond3A_180 = arith.cmpi ne, %convert_element_type3A_178, %cond3A_179 : i32
      scf.if %cond3A_180 {
        %dma_wait3A_296 = arith.constant 0 : i32
        %dma_wait3A_297 = arith.constant 0 : i32
        %dma_wait3A_298 = arith.constant 0 : i32
        %dma_wait3A_299 = tpu.memref_slice %arg8[%dma_wait3A_296, %dma_wait3A_297, %dma_wait3A_298] : memref<4x200x128xf32, #tpu.memory_space<vmem>> -> memref<1x200x64xf32, #tpu.memory_space<vmem>>
        %dma_wait3A_300 = tpu.memref_squeeze %dma_wait3A_299 : memref<1x200x64xf32, #tpu.memory_space<vmem>> -> memref<200x64xf32, #tpu.memory_space<vmem>>
        %dma_wait3A_301 = arith.constant 0 : i32
        %dma_wait3A_302 = arith.constant 0 : i32
        %dma_wait3A_303 = tpu.memref_slice %arg5[%dma_wait3A_301, %dma_wait3A_302] : memref<204800x64xf32, #tpu.memory_space<hbm>> -> memref<200x64xf32, #tpu.memory_space<hbm>>
        %dma_wait3A_304 = arith.constant 0 : i32
        %dma_wait3A_305 = arith.constant 0 : i32
        %dma_wait3A_306 = tpu.memref_slice %arg5[%dma_wait3A_304, %dma_wait3A_305] : memref<204800x64xf32, #tpu.memory_space<hbm>> -> memref<200x64xf32, #tpu.memory_space<hbm>>
        %dma_wait3A_307 = arith.constant 0 : i32
        %dma_wait3A_308 = arith.constant 0 : i32
        %dma_wait3A_309 = tpu.memref_slice %arg8[%dma_wait3A_296, %dma_wait3A_307, %dma_wait3A_308] : memref<4x200x128xf32, #tpu.memory_space<vmem>> -> memref<1x200x64xf32, #tpu.memory_space<vmem>>
        %dma_wait3A_310 = tpu.memref_squeeze %dma_wait3A_309 : memref<1x200x64xf32, #tpu.memory_space<vmem>> -> memref<200x64xf32, #tpu.memory_space<vmem>>
        tpu.wait_dma2 semaphore(%arg13 : memref<!tpu.dma_semaphore, #tpu.memory_space<semaphore_mem>>) src(%dma_wait3A_310 : memref<200x64xf32, #tpu.memory_space<vmem>>) dst(%dma_wait3A_306 : memref<200x64xf32, #tpu.memory_space<hbm>>)
      } else {
      }
      %add3A_181 = arith.constant 4 : i32
      %add3A_182 = arith.addi %add3A_140, %add3A_181 : i32
      %sub3A_183 = arith.constant 1 : i32
      %sub3A_184 = arith.subi %add3A_182, %sub3A_183 : i32
      %lt3A_185 = arith.constant 32 : i32
      %lt3A_186 = arith.cmpi slt, %sub3A_184, %lt3A_185 : i32
      %convert_element_type3A_187 = arith.extui %lt3A_186 : i1 to i32
      %cond3A_188 = arith.constant 0 : i32
      %cond3A_189 = arith.cmpi ne, %convert_element_type3A_187, %cond3A_188 : i32
      scf.if %cond3A_189 {
        %add3A_296 = arith.constant 4 : i32
        %add3A_297 = arith.addi %add3A_140, %add3A_296 : i32
        %sub3A_298 = arith.constant 1 : i32
        %sub3A_299 = arith.subi %add3A_297, %sub3A_298 : i32
        %mul3A_300 = arith.constant 200 : i32
        %mul3A_301 = arith.muli %sub3A_299, %mul3A_300 : i32
        %multiple_of3A_302 = tpu.assume_multiple %mul3A_301, 8 : i32
        %mul3A_303 = arith.constant 200 : i32
        %mul3A_304 = arith.muli %sub3A_299, %mul3A_303 : i32
        %add3A_305 = arith.constant 104 : i32
        %add3A_306 = arith.addi %mul3A_304, %add3A_305 : i32
        %multiple_of3A_307 = tpu.assume_multiple %add3A_306, 8 : i32
        %dma_start3A_308 = arith.constant 0 : i32
        %dma_start3A_309 = arith.constant 0 : i32
        %dma_start3A_310 = arith.constant 0 : i32
        %dma_start3A_311 = tpu.memref_slice %arg8[%dma_start3A_308, %dma_start3A_309, %dma_start3A_310] : memref<4x200x128xf32, #tpu.memory_space<vmem>> -> memref<1x104x128xf32, #tpu.memory_space<vmem>>
        %dma_start3A_312 = tpu.memref_squeeze %dma_start3A_311 : memref<1x104x128xf32, #tpu.memory_space<vmem>> -> memref<104x128xf32, #tpu.memory_space<vmem>>
        %dma_start3A_313 = tpu.memref_slice %arg7[%multiple_of3A_302] : memref<6400xi32, #tpu.memory_space<vmem>> -> memref<104xi32, #tpu.memory_space<vmem>>
        %dma_start3A_314 = arith.constant 0 : i32
        %dma_start3A_315 = arith.constant 0 : i32
        %dma_start3A_316 = tpu.memref_slice %arg3[%dma_start3A_314, %dma_start3A_315] : memref<1000000x128xf32, #tpu.memory_space<hbm>> -> memref<1000000x128xf32, #tpu.memory_space<hbm>>
        tpu.enqueue_indirect_dma source(%dma_start3A_316 : memref<1000000x128xf32, #tpu.memory_space<hbm>>) target(%dma_start3A_312 : memref<104x128xf32, #tpu.memory_space<vmem>>) offsets(%dma_start3A_313 : memref<104xi32, #tpu.memory_space<vmem>>) semaphore(%arg9 : memref<!tpu.dma_semaphore, #tpu.memory_space<semaphore_mem>>)
        %dma_start3A_317 = arith.constant 0 : i32
        %dma_start3A_318 = arith.constant 104 : i32
        %dma_start3A_319 = arith.constant 0 : i32
        %dma_start3A_320 = tpu.memref_slice %arg8[%dma_start3A_317, %dma_start3A_318, %dma_start3A_319] : memref<4x200x128xf32, #tpu.memory_space<vmem>> -> memref<1x96x128xf32, #tpu.memory_space<vmem>>
        %dma_start3A_321 = tpu.memref_squeeze %dma_start3A_320 : memref<1x96x128xf32, #tpu.memory_space<vmem>> -> memref<96x128xf32, #tpu.memory_space<vmem>>
        %dma_start3A_322 = tpu.memref_slice %arg7[%multiple_of3A_307] : memref<6400xi32, #tpu.memory_space<vmem>> -> memref<96xi32, #tpu.memory_space<vmem>>
        %dma_start3A_323 = arith.constant 0 : i32
        %dma_start3A_324 = arith.constant 0 : i32
        %dma_start3A_325 = tpu.memref_slice %arg3[%dma_start3A_323, %dma_start3A_324] : memref<1000000x128xf32, #tpu.memory_space<hbm>> -> memref<1000000x128xf32, #tpu.memory_space<hbm>>
        tpu.enqueue_indirect_dma source(%dma_start3A_325 : memref<1000000x128xf32, #tpu.memory_space<hbm>>) target(%dma_start3A_321 : memref<96x128xf32, #tpu.memory_space<vmem>>) offsets(%dma_start3A_322 : memref<96xi32, #tpu.memory_space<vmem>>) semaphore(%arg9 : memref<!tpu.dma_semaphore, #tpu.memory_space<semaphore_mem>>)
      } else {
      }
      %mul3A_190 = arith.constant 4 : i32
      %mul3A_191 = arith.muli %scan3A_89, %mul3A_190 : i32
      %add3A_192 = arith.constant 2 : i32
      %add3A_193 = arith.addi %mul3A_191, %add3A_192 : i32
      %dma_wait3A_194 = arith.constant 2 : i32
      %dma_wait3A_195 = arith.constant 0 : i32
      %dma_wait3A_196 = arith.constant 0 : i32
      %dma_wait3A_197 = tpu.memref_slice %arg8[%dma_wait3A_194, %dma_wait3A_195, %dma_wait3A_196] : memref<4x200x128xf32, #tpu.memory_space<vmem>> -> memref<1x200x128xf32, #tpu.memory_space<vmem>>
      %dma_wait3A_198 = tpu.memref_squeeze %dma_wait3A_197 : memref<1x200x128xf32, #tpu.memory_space<vmem>> -> memref<200x128xf32, #tpu.memory_space<vmem>>
      %dma_wait3A_199 = arith.constant 0 : i32
      %dma_wait3A_200 = arith.constant 0 : i32
      %dma_wait3A_201 = tpu.memref_slice %arg3[%dma_wait3A_199, %dma_wait3A_200] : memref<1000000x128xf32, #tpu.memory_space<hbm>> -> memref<200x128xf32, #tpu.memory_space<hbm>>
      %dma_wait3A_202 = arith.constant 0 : i32
      %dma_wait3A_203 = arith.constant 0 : i32
      %dma_wait3A_204 = tpu.memref_slice %arg8[%dma_wait3A_194, %dma_wait3A_202, %dma_wait3A_203] : memref<4x200x128xf32, #tpu.memory_space<vmem>> -> memref<1x200x128xf32, #tpu.memory_space<vmem>>
      %dma_wait3A_205 = tpu.memref_squeeze %dma_wait3A_204 : memref<1x200x128xf32, #tpu.memory_space<vmem>> -> memref<200x128xf32, #tpu.memory_space<vmem>>
      %dma_wait3A_206 = arith.constant 0 : i32
      %dma_wait3A_207 = arith.constant 0 : i32
      %dma_wait3A_208 = tpu.memref_slice %arg3[%dma_wait3A_206, %dma_wait3A_207] : memref<1000000x128xf32, #tpu.memory_space<hbm>> -> memref<200x128xf32, #tpu.memory_space<hbm>>
      tpu.wait_dma2 semaphore(%arg11 : memref<!tpu.dma_semaphore, #tpu.memory_space<semaphore_mem>>) src(%dma_wait3A_208 : memref<200x128xf32, #tpu.memory_space<hbm>>) dst(%dma_wait3A_205 : memref<200x128xf32, #tpu.memory_space<vmem>>)
      %parallel_loop3A_209 = arith.constant 0 : i32
      %parallel_loop3A_210 = arith.constant 200 : i32
      %parallel_loop3A_211 = arith.constant 1 : i32
      scf.for %parallel_loop3A_296 = %parallel_loop3A_209 to %parallel_loop3A_210 step %parallel_loop3A_211  : i32 {
        %parallel_loop3A_297 = arith.constant 2 : i32
        %parallel_loop3A_298 = arith.index_cast %parallel_loop3A_297 : i32 to index
        %parallel_loop3A_299 = arith.index_cast %parallel_loop3A_296 : i32 to index
        %parallel_loop3A_300 = arith.constant 0 : index
        %parallel_loop3A_301 = tpu.vector_load %arg8[%parallel_loop3A_298, %parallel_loop3A_299, %parallel_loop3A_300] {strides = array<i32>} : memref<4x200x128xf32, #tpu.memory_space<vmem>>, vector<1x1x16xf32>,
        %parallel_loop3A_302 = vector.shape_cast %parallel_loop3A_301 : vector<1x1x16xf32> to vector<16xf32>
        %parallel_loop3A_303 = arith.index_cast %parallel_loop3A_296 : i32 to index
        %parallel_loop3A_304 = arith.constant 0 : index
        %parallel_loop3A_305 = tpu.vector_load %arg6[%parallel_loop3A_303, %parallel_loop3A_304] {strides = array<i32>} : memref<200x64xf32, #tpu.memory_space<vmem>>, vector<1x16xf32>,
        %parallel_loop3A_306 = vector.shape_cast %parallel_loop3A_305 : vector<1x16xf32> to vector<16xf32>
        %parallel_loop3A_307 = arith.addf %parallel_loop3A_302, %parallel_loop3A_306 : vector<16xf32>
        %parallel_loop3A_308 = arith.constant 2 : i32
        %parallel_loop3A_309 = arith.index_cast %parallel_loop3A_308 : i32 to index
        %parallel_loop3A_310 = arith.index_cast %parallel_loop3A_296 : i32 to index
        %parallel_loop3A_311 = arith.constant 0 : index
        %parallel_loop3A_312 = tpu.vector_load %arg8[%parallel_loop3A_309, %parallel_loop3A_310, %parallel_loop3A_311] {strides = array<i32>} : memref<4x200x128xf32, #tpu.memory_space<vmem>>, vector<1x1x16xf32>,
        %parallel_loop3A_313 = vector.shape_cast %parallel_loop3A_312 : vector<1x1x16xf32> to vector<16xf32>
        %parallel_loop3A_314 = vector.shape_cast %parallel_loop3A_307 : vector<16xf32> to vector<1x1x16xf32>
        tpu.vector_store %arg8[%parallel_loop3A_309, %parallel_loop3A_310, %parallel_loop3A_311], %parallel_loop3A_314 {strides = array<i32>} : memref<4x200x128xf32, #tpu.memory_space<vmem>>, vector<1x1x16xf32>,
        %parallel_loop3A_315 = arith.constant 2 : i32
        %parallel_loop3A_316 = arith.index_cast %parallel_loop3A_315 : i32 to index
        %parallel_loop3A_317 = arith.index_cast %parallel_loop3A_296 : i32 to index
        %parallel_loop3A_318 = arith.constant 16 : index
        %parallel_loop3A_319 = tpu.vector_load %arg8[%parallel_loop3A_316, %parallel_loop3A_317, %parallel_loop3A_318] {strides = array<i32>} : memref<4x200x128xf32, #tpu.memory_space<vmem>>, vector<1x1x16xf32>,
        %parallel_loop3A_320 = vector.shape_cast %parallel_loop3A_319 : vector<1x1x16xf32> to vector<16xf32>
        %parallel_loop3A_321 = arith.index_cast %parallel_loop3A_296 : i32 to index
        %parallel_loop3A_322 = arith.constant 16 : index
        %parallel_loop3A_323 = tpu.vector_load %arg6[%parallel_loop3A_321, %parallel_loop3A_322] {strides = array<i32>} : memref<200x64xf32, #tpu.memory_space<vmem>>, vector<1x16xf32>,
        %parallel_loop3A_324 = vector.shape_cast %parallel_loop3A_323 : vector<1x16xf32> to vector<16xf32>
        %parallel_loop3A_325 = arith.addf %parallel_loop3A_320, %parallel_loop3A_324 : vector<16xf32>
        %parallel_loop3A_326 = arith.constant 2 : i32
        %parallel_loop3A_327 = arith.index_cast %parallel_loop3A_326 : i32 to index
        %parallel_loop3A_328 = arith.index_cast %parallel_loop3A_296 : i32 to index
        %parallel_loop3A_329 = arith.constant 16 : index
        %parallel_loop3A_330 = tpu.vector_load %arg8[%parallel_loop3A_327, %parallel_loop3A_328, %parallel_loop3A_329] {strides = array<i32>} : memref<4x200x128xf32, #tpu.memory_space<vmem>>, vector<1x1x16xf32>,
        %parallel_loop3A_331 = vector.shape_cast %parallel_loop3A_330 : vector<1x1x16xf32> to vector<16xf32>
        %parallel_loop3A_332 = vector.shape_cast %parallel_loop3A_325 : vector<16xf32> to vector<1x1x16xf32>
        tpu.vector_store %arg8[%parallel_loop3A_327, %parallel_loop3A_328, %parallel_loop3A_329], %parallel_loop3A_332 {strides = array<i32>} : memref<4x200x128xf32, #tpu.memory_space<vmem>>, vector<1x1x16xf32>,
        %parallel_loop3A_333 = arith.constant 2 : i32
        %parallel_loop3A_334 = arith.index_cast %parallel_loop3A_333 : i32 to index
        %parallel_loop3A_335 = arith.index_cast %parallel_loop3A_296 : i32 to index
        %parallel_loop3A_336 = arith.constant 32 : index
        %parallel_loop3A_337 = tpu.vector_load %arg8[%parallel_loop3A_334, %parallel_loop3A_335, %parallel_loop3A_336] {strides = array<i32>} : memref<4x200x128xf32, #tpu.memory_space<vmem>>, vector<1x1x16xf32>,
        %parallel_loop3A_338 = vector.shape_cast %parallel_loop3A_337 : vector<1x1x16xf32> to vector<16xf32>
        %parallel_loop3A_339 = arith.index_cast %parallel_loop3A_296 : i32 to index
        %parallel_loop3A_340 = arith.constant 32 : index
        %parallel_loop3A_341 = tpu.vector_load %arg6[%parallel_loop3A_339, %parallel_loop3A_340] {strides = array<i32>} : memref<200x64xf32, #tpu.memory_space<vmem>>, vector<1x16xf32>,
        %parallel_loop3A_342 = vector.shape_cast %parallel_loop3A_341 : vector<1x16xf32> to vector<16xf32>
        %parallel_loop3A_343 = arith.addf %parallel_loop3A_338, %parallel_loop3A_342 : vector<16xf32>
        %parallel_loop3A_344 = arith.constant 2 : i32
        %parallel_loop3A_345 = arith.index_cast %parallel_loop3A_344 : i32 to index
        %parallel_loop3A_346 = arith.index_cast %parallel_loop3A_296 : i32 to index
        %parallel_loop3A_347 = arith.constant 32 : index
        %parallel_loop3A_348 = tpu.vector_load %arg8[%parallel_loop3A_345, %parallel_loop3A_346, %parallel_loop3A_347] {strides = array<i32>} : memref<4x200x128xf32, #tpu.memory_space<vmem>>, vector<1x1x16xf32>,
        %parallel_loop3A_349 = vector.shape_cast %parallel_loop3A_348 : vector<1x1x16xf32> to vector<16xf32>
        %parallel_loop3A_350 = vector.shape_cast %parallel_loop3A_343 : vector<16xf32> to vector<1x1x16xf32>
        tpu.vector_store %arg8[%parallel_loop3A_345, %parallel_loop3A_346, %parallel_loop3A_347], %parallel_loop3A_350 {strides = array<i32>} : memref<4x200x128xf32, #tpu.memory_space<vmem>>, vector<1x1x16xf32>,
        %parallel_loop3A_351 = arith.constant 2 : i32
        %parallel_loop3A_352 = arith.index_cast %parallel_loop3A_351 : i32 to index
        %parallel_loop3A_353 = arith.index_cast %parallel_loop3A_296 : i32 to index
        %parallel_loop3A_354 = arith.constant 48 : index
        %parallel_loop3A_355 = tpu.vector_load %arg8[%parallel_loop3A_352, %parallel_loop3A_353, %parallel_loop3A_354] {strides = array<i32>} : memref<4x200x128xf32, #tpu.memory_space<vmem>>, vector<1x1x16xf32>,
        %parallel_loop3A_356 = vector.shape_cast %parallel_loop3A_355 : vector<1x1x16xf32> to vector<16xf32>
        %parallel_loop3A_357 = arith.index_cast %parallel_loop3A_296 : i32 to index
        %parallel_loop3A_358 = arith.constant 48 : index
        %parallel_loop3A_359 = tpu.vector_load %arg6[%parallel_loop3A_357, %parallel_loop3A_358] {strides = array<i32>} : memref<200x64xf32, #tpu.memory_space<vmem>>, vector<1x16xf32>,
        %parallel_loop3A_360 = vector.shape_cast %parallel_loop3A_359 : vector<1x16xf32> to vector<16xf32>
        %parallel_loop3A_361 = arith.addf %parallel_loop3A_356, %parallel_loop3A_360 : vector<16xf32>
        %parallel_loop3A_362 = arith.constant 2 : i32
        %parallel_loop3A_363 = arith.index_cast %parallel_loop3A_362 : i32 to index
        %parallel_loop3A_364 = arith.index_cast %parallel_loop3A_296 : i32 to index
        %parallel_loop3A_365 = arith.constant 48 : index
        %parallel_loop3A_366 = tpu.vector_load %arg8[%parallel_loop3A_363, %parallel_loop3A_364, %parallel_loop3A_365] {strides = array<i32>} : memref<4x200x128xf32, #tpu.memory_space<vmem>>, vector<1x1x16xf32>,
        %parallel_loop3A_367 = vector.shape_cast %parallel_loop3A_366 : vector<1x1x16xf32> to vector<16xf32>
        %parallel_loop3A_368 = vector.shape_cast %parallel_loop3A_361 : vector<16xf32> to vector<1x1x16xf32>
        tpu.vector_store %arg8[%parallel_loop3A_363, %parallel_loop3A_364, %parallel_loop3A_365], %parallel_loop3A_368 {strides = array<i32>} : memref<4x200x128xf32, #tpu.memory_space<vmem>>, vector<1x1x16xf32>,
      } {sc.loop_unroll_factor = 4 : i64, sc.parallel_access}
      %add3A_212 = arith.addi %mul3A_2, %add3A_193 : i32
      %mul3A_213 = arith.constant 200 : i32
      %mul3A_214 = arith.muli %add3A_212, %mul3A_213 : i32
      %multiple_of3A_215 = tpu.assume_multiple %mul3A_214, 8 : i32
      %dma_start3A_216 = arith.constant 2 : i32
      %dma_start3A_217 = arith.constant 0 : i32
      %dma_start3A_218 = arith.constant 0 : i32
      %dma_start3A_219 = tpu.memref_slice %arg8[%dma_start3A_216, %dma_start3A_217, %dma_start3A_218] : memref<4x200x128xf32, #tpu.memory_space<vmem>> -> memref<1x200x64xf32, #tpu.memory_space<vmem>>
      %dma_start3A_220 = tpu.memref_squeeze %dma_start3A_219 : memref<1x200x64xf32, #tpu.memory_space<vmem>> -> memref<200x64xf32, #tpu.memory_space<vmem>>
      %dma_start3A_221 = arith.constant 0 : i32
      %dma_start3A_222 = tpu.memref_slice %arg5[%multiple_of3A_215, %dma_start3A_221] : memref<204800x64xf32, #tpu.memory_space<hbm>> -> memref<200x64xf32, #tpu.memory_space<hbm>>
      %dma_start3A_223 = arith.constant 0 : i32
      %dma_start3A_224 = tpu.memref_slice %arg5[%multiple_of3A_215, %dma_start3A_223] : memref<204800x64xf32, #tpu.memory_space<hbm>> -> memref<200x64xf32, #tpu.memory_space<hbm>>
      %dma_start3A_225 = arith.constant 0 : i32
      %dma_start3A_226 = arith.constant 0 : i32
      %dma_start3A_227 = tpu.memref_slice %arg8[%dma_start3A_216, %dma_start3A_225, %dma_start3A_226] : memref<4x200x128xf32, #tpu.memory_space<vmem>> -> memref<1x200x64xf32, #tpu.memory_space<vmem>>
      %dma_start3A_228 = tpu.memref_squeeze %dma_start3A_227 : memref<1x200x64xf32, #tpu.memory_space<vmem>> -> memref<200x64xf32, #tpu.memory_space<vmem>>
      tpu.enqueue_dma source(%dma_start3A_228 : memref<200x64xf32, #tpu.memory_space<vmem>>) target(%dma_start3A_224 : memref<200x64xf32, #tpu.memory_space<hbm>>) target_semaphore(%arg15 : memref<!tpu.dma_semaphore, #tpu.memory_space<semaphore_mem>>)
      %ge3A_229 = arith.constant 1 : i32
      %ge3A_230 = arith.cmpi sge, %add3A_193, %ge3A_229 : i32
      %convert_element_type3A_231 = arith.extui %ge3A_230 : i1 to i32
      %cond3A_232 = arith.constant 0 : i32
      %cond3A_233 = arith.cmpi ne, %convert_element_type3A_231, %cond3A_232 : i32
      scf.if %cond3A_233 {
        %dma_wait3A_296 = arith.constant 1 : i32
        %dma_wait3A_297 = arith.constant 0 : i32
        %dma_wait3A_298 = arith.constant 0 : i32
        %dma_wait3A_299 = tpu.memref_slice %arg8[%dma_wait3A_296, %dma_wait3A_297, %dma_wait3A_298] : memref<4x200x128xf32, #tpu.memory_space<vmem>> -> memref<1x200x64xf32, #tpu.memory_space<vmem>>
        %dma_wait3A_300 = tpu.memref_squeeze %dma_wait3A_299 : memref<1x200x64xf32, #tpu.memory_space<vmem>> -> memref<200x64xf32, #tpu.memory_space<vmem>>
        %dma_wait3A_301 = arith.constant 0 : i32
        %dma_wait3A_302 = arith.constant 0 : i32
        %dma_wait3A_303 = tpu.memref_slice %arg5[%dma_wait3A_301, %dma_wait3A_302] : memref<204800x64xf32, #tpu.memory_space<hbm>> -> memref<200x64xf32, #tpu.memory_space<hbm>>
        %dma_wait3A_304 = arith.constant 0 : i32
        %dma_wait3A_305 = arith.constant 0 : i32
        %dma_wait3A_306 = tpu.memref_slice %arg5[%dma_wait3A_304, %dma_wait3A_305] : memref<204800x64xf32, #tpu.memory_space<hbm>> -> memref<200x64xf32, #tpu.memory_space<hbm>>
        %dma_wait3A_307 = arith.constant 0 : i32
        %dma_wait3A_308 = arith.constant 0 : i32
        %dma_wait3A_309 = tpu.memref_slice %arg8[%dma_wait3A_296, %dma_wait3A_307, %dma_wait3A_308] : memref<4x200x128xf32, #tpu.memory_space<vmem>> -> memref<1x200x64xf32, #tpu.memory_space<vmem>>
        %dma_wait3A_310 = tpu.memref_squeeze %dma_wait3A_309 : memref<1x200x64xf32, #tpu.memory_space<vmem>> -> memref<200x64xf32, #tpu.memory_space<vmem>>
        tpu.wait_dma2 semaphore(%arg14 : memref<!tpu.dma_semaphore, #tpu.memory_space<semaphore_mem>>) src(%dma_wait3A_310 : memref<200x64xf32, #tpu.memory_space<vmem>>) dst(%dma_wait3A_306 : memref<200x64xf32, #tpu.memory_space<hbm>>)
      } else {
      }
      %add3A_234 = arith.constant 4 : i32
      %add3A_235 = arith.addi %add3A_193, %add3A_234 : i32
      %sub3A_236 = arith.constant 1 : i32
      %sub3A_237 = arith.subi %add3A_235, %sub3A_236 : i32
      %lt3A_238 = arith.constant 32 : i32
      %lt3A_239 = arith.cmpi slt, %sub3A_237, %lt3A_238 : i32
      %convert_element_type3A_240 = arith.extui %lt3A_239 : i1 to i32
      %cond3A_241 = arith.constant 0 : i32
      %cond3A_242 = arith.cmpi ne, %convert_element_type3A_240, %cond3A_241 : i32
      scf.if %cond3A_242 {
        %add3A_296 = arith.constant 4 : i32
        %add3A_297 = arith.addi %add3A_193, %add3A_296 : i32
        %sub3A_298 = arith.constant 1 : i32
        %sub3A_299 = arith.subi %add3A_297, %sub3A_298 : i32
        %mul3A_300 = arith.constant 200 : i32
        %mul3A_301 = arith.muli %sub3A_299, %mul3A_300 : i32
        %multiple_of3A_302 = tpu.assume_multiple %mul3A_301, 8 : i32
        %mul3A_303 = arith.constant 200 : i32
        %mul3A_304 = arith.muli %sub3A_299, %mul3A_303 : i32
        %add3A_305 = arith.constant 104 : i32
        %add3A_306 = arith.addi %mul3A_304, %add3A_305 : i32
        %multiple_of3A_307 = tpu.assume_multiple %add3A_306, 8 : i32
        %dma_start3A_308 = arith.constant 1 : i32
        %dma_start3A_309 = arith.constant 0 : i32
        %dma_start3A_310 = arith.constant 0 : i32
        %dma_start3A_311 = tpu.memref_slice %arg8[%dma_start3A_308, %dma_start3A_309, %dma_start3A_310] : memref<4x200x128xf32, #tpu.memory_space<vmem>> -> memref<1x104x128xf32, #tpu.memory_space<vmem>>
        %dma_start3A_312 = tpu.memref_squeeze %dma_start3A_311 : memref<1x104x128xf32, #tpu.memory_space<vmem>> -> memref<104x128xf32, #tpu.memory_space<vmem>>
        %dma_start3A_313 = tpu.memref_slice %arg7[%multiple_of3A_302] : memref<6400xi32, #tpu.memory_space<vmem>> -> memref<104xi32, #tpu.memory_space<vmem>>
        %dma_start3A_314 = arith.constant 0 : i32
        %dma_start3A_315 = arith.constant 0 : i32
        %dma_start3A_316 = tpu.memref_slice %arg3[%dma_start3A_314, %dma_start3A_315] : memref<1000000x128xf32, #tpu.memory_space<hbm>> -> memref<1000000x128xf32, #tpu.memory_space<hbm>>
        tpu.enqueue_indirect_dma source(%dma_start3A_316 : memref<1000000x128xf32, #tpu.memory_space<hbm>>) target(%dma_start3A_312 : memref<104x128xf32, #tpu.memory_space<vmem>>) offsets(%dma_start3A_313 : memref<104xi32, #tpu.memory_space<vmem>>) semaphore(%arg10 : memref<!tpu.dma_semaphore, #tpu.memory_space<semaphore_mem>>)
        %dma_start3A_317 = arith.constant 1 : i32
        %dma_start3A_318 = arith.constant 104 : i32
        %dma_start3A_319 = arith.constant 0 : i32
        %dma_start3A_320 = tpu.memref_slice %arg8[%dma_start3A_317, %dma_start3A_318, %dma_start3A_319] : memref<4x200x128xf32, #tpu.memory_space<vmem>> -> memref<1x96x128xf32, #tpu.memory_space<vmem>>
        %dma_start3A_321 = tpu.memref_squeeze %dma_start3A_320 : memref<1x96x128xf32, #tpu.memory_space<vmem>> -> memref<96x128xf32, #tpu.memory_space<vmem>>
        %dma_start3A_322 = tpu.memref_slice %arg7[%multiple_of3A_307] : memref<6400xi32, #tpu.memory_space<vmem>> -> memref<96xi32, #tpu.memory_space<vmem>>
        %dma_start3A_323 = arith.constant 0 : i32
        %dma_start3A_324 = arith.constant 0 : i32
        %dma_start3A_325 = tpu.memref_slice %arg3[%dma_start3A_323, %dma_start3A_324] : memref<1000000x128xf32, #tpu.memory_space<hbm>> -> memref<1000000x128xf32, #tpu.memory_space<hbm>>
        tpu.enqueue_indirect_dma source(%dma_start3A_325 : memref<1000000x128xf32, #tpu.memory_space<hbm>>) target(%dma_start3A_321 : memref<96x128xf32, #tpu.memory_space<vmem>>) offsets(%dma_start3A_322 : memref<96xi32, #tpu.memory_space<vmem>>) semaphore(%arg10 : memref<!tpu.dma_semaphore, #tpu.memory_space<semaphore_mem>>)
      } else {
      }
      %mul3A_243 = arith.constant 4 : i32
      %mul3A_244 = arith.muli %scan3A_89, %mul3A_243 : i32
      %add3A_245 = arith.constant 3 : i32
      %add3A_246 = arith.addi %mul3A_244, %add3A_245 : i32
      %dma_wait3A_247 = arith.constant 3 : i32
      %dma_wait3A_248 = arith.constant 0 : i32
      %dma_wait3A_249 = arith.constant 0 : i32
      %dma_wait3A_250 = tpu.memref_slice %arg8[%dma_wait3A_247, %dma_wait3A_248, %dma_wait3A_249] : memref<4x200x128xf32, #tpu.memory_space<vmem>> -> memref<1x200x128xf32, #tpu.memory_space<vmem>>
      %dma_wait3A_251 = tpu.memref_squeeze %dma_wait3A_250 : memref<1x200x128xf32, #tpu.memory_space<vmem>> -> memref<200x128xf32, #tpu.memory_space<vmem>>
      %dma_wait3A_252 = arith.constant 0 : i32
      %dma_wait3A_253 = arith.constant 0 : i32
      %dma_wait3A_254 = tpu.memref_slice %arg3[%dma_wait3A_252, %dma_wait3A_253] : memref<1000000x128xf32, #tpu.memory_space<hbm>> -> memref<200x128xf32, #tpu.memory_space<hbm>>
      %dma_wait3A_255 = arith.constant 0 : i32
      %dma_wait3A_256 = arith.constant 0 : i32
      %dma_wait3A_257 = tpu.memref_slice %arg8[%dma_wait3A_247, %dma_wait3A_255, %dma_wait3A_256] : memref<4x200x128xf32, #tpu.memory_space<vmem>> -> memref<1x200x128xf32, #tpu.memory_space<vmem>>
      %dma_wait3A_258 = tpu.memref_squeeze %dma_wait3A_257 : memref<1x200x128xf32, #tpu.memory_space<vmem>> -> memref<200x128xf32, #tpu.memory_space<vmem>>
      %dma_wait3A_259 = arith.constant 0 : i32
      %dma_wait3A_260 = arith.constant 0 : i32
      %dma_wait3A_261 = tpu.memref_slice %arg3[%dma_wait3A_259, %dma_wait3A_260] : memref<1000000x128xf32, #tpu.memory_space<hbm>> -> memref<200x128xf32, #tpu.memory_space<hbm>>
      tpu.wait_dma2 semaphore(%arg12 : memref<!tpu.dma_semaphore, #tpu.memory_space<semaphore_mem>>) src(%dma_wait3A_261 : memref<200x128xf32, #tpu.memory_space<hbm>>) dst(%dma_wait3A_258 : memref<200x128xf32, #tpu.memory_space<vmem>>)
      %parallel_loop3A_262 = arith.constant 0 : i32
      %parallel_loop3A_263 = arith.constant 200 : i32
      %parallel_loop3A_264 = arith.constant 1 : i32
      scf.for %parallel_loop3A_296 = %parallel_loop3A_262 to %parallel_loop3A_263 step %parallel_loop3A_264  : i32 {
        %parallel_loop3A_297 = arith.constant 3 : i32
        %parallel_loop3A_298 = arith.index_cast %parallel_loop3A_297 : i32 to index
        %parallel_loop3A_299 = arith.index_cast %parallel_loop3A_296 : i32 to index
        %parallel_loop3A_300 = arith.constant 0 : index
        %parallel_loop3A_301 = tpu.vector_load %arg8[%parallel_loop3A_298, %parallel_loop3A_299, %parallel_loop3A_300] {strides = array<i32>} : memref<4x200x128xf32, #tpu.memory_space<vmem>>, vector<1x1x16xf32>,
        %parallel_loop3A_302 = vector.shape_cast %parallel_loop3A_301 : vector<1x1x16xf32> to vector<16xf32>
        %parallel_loop3A_303 = arith.index_cast %parallel_loop3A_296 : i32 to index
        %parallel_loop3A_304 = arith.constant 0 : index
        %parallel_loop3A_305 = tpu.vector_load %arg6[%parallel_loop3A_303, %parallel_loop3A_304] {strides = array<i32>} : memref<200x64xf32, #tpu.memory_space<vmem>>, vector<1x16xf32>,
        %parallel_loop3A_306 = vector.shape_cast %parallel_loop3A_305 : vector<1x16xf32> to vector<16xf32>
        %parallel_loop3A_307 = arith.addf %parallel_loop3A_302, %parallel_loop3A_306 : vector<16xf32>
        %parallel_loop3A_308 = arith.constant 3 : i32
        %parallel_loop3A_309 = arith.index_cast %parallel_loop3A_308 : i32 to index
        %parallel_loop3A_310 = arith.index_cast %parallel_loop3A_296 : i32 to index
        %parallel_loop3A_311 = arith.constant 0 : index
        %parallel_loop3A_312 = tpu.vector_load %arg8[%parallel_loop3A_309, %parallel_loop3A_310, %parallel_loop3A_311] {strides = array<i32>} : memref<4x200x128xf32, #tpu.memory_space<vmem>>, vector<1x1x16xf32>,
        %parallel_loop3A_313 = vector.shape_cast %parallel_loop3A_312 : vector<1x1x16xf32> to vector<16xf32>
        %parallel_loop3A_314 = vector.shape_cast %parallel_loop3A_307 : vector<16xf32> to vector<1x1x16xf32>
        tpu.vector_store %arg8[%parallel_loop3A_309, %parallel_loop3A_310, %parallel_loop3A_311], %parallel_loop3A_314 {strides = array<i32>} : memref<4x200x128xf32, #tpu.memory_space<vmem>>, vector<1x1x16xf32>,
        %parallel_loop3A_315 = arith.constant 3 : i32
        %parallel_loop3A_316 = arith.index_cast %parallel_loop3A_315 : i32 to index
        %parallel_loop3A_317 = arith.index_cast %parallel_loop3A_296 : i32 to index
        %parallel_loop3A_318 = arith.constant 16 : index
        %parallel_loop3A_319 = tpu.vector_load %arg8[%parallel_loop3A_316, %parallel_loop3A_317, %parallel_loop3A_318] {strides = array<i32>} : memref<4x200x128xf32, #tpu.memory_space<vmem>>, vector<1x1x16xf32>,
        %parallel_loop3A_320 = vector.shape_cast %parallel_loop3A_319 : vector<1x1x16xf32> to vector<16xf32>
        %parallel_loop3A_321 = arith.index_cast %parallel_loop3A_296 : i32 to index
        %parallel_loop3A_322 = arith.constant 16 : index
        %parallel_loop3A_323 = tpu.vector_load %arg6[%parallel_loop3A_321, %parallel_loop3A_322] {strides = array<i32>} : memref<200x64xf32, #tpu.memory_space<vmem>>, vector<1x16xf32>,
        %parallel_loop3A_324 = vector.shape_cast %parallel_loop3A_323 : vector<1x16xf32> to vector<16xf32>
        %parallel_loop3A_325 = arith.addf %parallel_loop3A_320, %parallel_loop3A_324 : vector<16xf32>
        %parallel_loop3A_326 = arith.constant 3 : i32
        %parallel_loop3A_327 = arith.index_cast %parallel_loop3A_326 : i32 to index
        %parallel_loop3A_328 = arith.index_cast %parallel_loop3A_296 : i32 to index
        %parallel_loop3A_329 = arith.constant 16 : index
        %parallel_loop3A_330 = tpu.vector_load %arg8[%parallel_loop3A_327, %parallel_loop3A_328, %parallel_loop3A_329] {strides = array<i32>} : memref<4x200x128xf32, #tpu.memory_space<vmem>>, vector<1x1x16xf32>,
        %parallel_loop3A_331 = vector.shape_cast %parallel_loop3A_330 : vector<1x1x16xf32> to vector<16xf32>
        %parallel_loop3A_332 = vector.shape_cast %parallel_loop3A_325 : vector<16xf32> to vector<1x1x16xf32>
        tpu.vector_store %arg8[%parallel_loop3A_327, %parallel_loop3A_328, %parallel_loop3A_329], %parallel_loop3A_332 {strides = array<i32>} : memref<4x200x128xf32, #tpu.memory_space<vmem>>, vector<1x1x16xf32>,
        %parallel_loop3A_333 = arith.constant 3 : i32
        %parallel_loop3A_334 = arith.index_cast %parallel_loop3A_333 : i32 to index
        %parallel_loop3A_335 = arith.index_cast %parallel_loop3A_296 : i32 to index
        %parallel_loop3A_336 = arith.constant 32 : index
        %parallel_loop3A_337 = tpu.vector_load %arg8[%parallel_loop3A_334, %parallel_loop3A_335, %parallel_loop3A_336] {strides = array<i32>} : memref<4x200x128xf32, #tpu.memory_space<vmem>>, vector<1x1x16xf32>,
        %parallel_loop3A_338 = vector.shape_cast %parallel_loop3A_337 : vector<1x1x16xf32> to vector<16xf32>
        %parallel_loop3A_339 = arith.index_cast %parallel_loop3A_296 : i32 to index
        %parallel_loop3A_340 = arith.constant 32 : index
        %parallel_loop3A_341 = tpu.vector_load %arg6[%parallel_loop3A_339, %parallel_loop3A_340] {strides = array<i32>} : memref<200x64xf32, #tpu.memory_space<vmem>>, vector<1x16xf32>,
        %parallel_loop3A_342 = vector.shape_cast %parallel_loop3A_341 : vector<1x16xf32> to vector<16xf32>
        %parallel_loop3A_343 = arith.addf %parallel_loop3A_338, %parallel_loop3A_342 : vector<16xf32>
        %parallel_loop3A_344 = arith.constant 3 : i32
        %parallel_loop3A_345 = arith.index_cast %parallel_loop3A_344 : i32 to index
        %parallel_loop3A_346 = arith.index_cast %parallel_loop3A_296 : i32 to index
        %parallel_loop3A_347 = arith.constant 32 : index
        %parallel_loop3A_348 = tpu.vector_load %arg8[%parallel_loop3A_345, %parallel_loop3A_346, %parallel_loop3A_347] {strides = array<i32>} : memref<4x200x128xf32, #tpu.memory_space<vmem>>, vector<1x1x16xf32>,
        %parallel_loop3A_349 = vector.shape_cast %parallel_loop3A_348 : vector<1x1x16xf32> to vector<16xf32>
        %parallel_loop3A_350 = vector.shape_cast %parallel_loop3A_343 : vector<16xf32> to vector<1x1x16xf32>
        tpu.vector_store %arg8[%parallel_loop3A_345, %parallel_loop3A_346, %parallel_loop3A_347], %parallel_loop3A_350 {strides = array<i32>} : memref<4x200x128xf32, #tpu.memory_space<vmem>>, vector<1x1x16xf32>,
        %parallel_loop3A_351 = arith.constant 3 : i32
        %parallel_loop3A_352 = arith.index_cast %parallel_loop3A_351 : i32 to index
        %parallel_loop3A_353 = arith.index_cast %parallel_loop3A_296 : i32 to index
        %parallel_loop3A_354 = arith.constant 48 : index
        %parallel_loop3A_355 = tpu.vector_load %arg8[%parallel_loop3A_352, %parallel_loop3A_353, %parallel_loop3A_354] {strides = array<i32>} : memref<4x200x128xf32, #tpu.memory_space<vmem>>, vector<1x1x16xf32>,
        %parallel_loop3A_356 = vector.shape_cast %parallel_loop3A_355 : vector<1x1x16xf32> to vector<16xf32>
        %parallel_loop3A_357 = arith.index_cast %parallel_loop3A_296 : i32 to index
        %parallel_loop3A_358 = arith.constant 48 : index
        %parallel_loop3A_359 = tpu.vector_load %arg6[%parallel_loop3A_357, %parallel_loop3A_358] {strides = array<i32>} : memref<200x64xf32, #tpu.memory_space<vmem>>, vector<1x16xf32>,
        %parallel_loop3A_360 = vector.shape_cast %parallel_loop3A_359 : vector<1x16xf32> to vector<16xf32>
        %parallel_loop3A_361 = arith.addf %parallel_loop3A_356, %parallel_loop3A_360 : vector<16xf32>
        %parallel_loop3A_362 = arith.constant 3 : i32
        %parallel_loop3A_363 = arith.index_cast %parallel_loop3A_362 : i32 to index
        %parallel_loop3A_364 = arith.index_cast %parallel_loop3A_296 : i32 to index
        %parallel_loop3A_365 = arith.constant 48 : index
        %parallel_loop3A_366 = tpu.vector_load %arg8[%parallel_loop3A_363, %parallel_loop3A_364, %parallel_loop3A_365] {strides = array<i32>} : memref<4x200x128xf32, #tpu.memory_space<vmem>>, vector<1x1x16xf32>,
        %parallel_loop3A_367 = vector.shape_cast %parallel_loop3A_366 : vector<1x1x16xf32> to vector<16xf32>
        %parallel_loop3A_368 = vector.shape_cast %parallel_loop3A_361 : vector<16xf32> to vector<1x1x16xf32>
        tpu.vector_store %arg8[%parallel_loop3A_363, %parallel_loop3A_364, %parallel_loop3A_365], %parallel_loop3A_368 {strides = array<i32>} : memref<4x200x128xf32, #tpu.memory_space<vmem>>, vector<1x1x16xf32>,
      } {sc.loop_unroll_factor = 4 : i64, sc.parallel_access}
      %add3A_265 = arith.addi %mul3A_2, %add3A_246 : i32
      %mul3A_266 = arith.constant 200 : i32
      %mul3A_267 = arith.muli %add3A_265, %mul3A_266 : i32
      %multiple_of3A_268 = tpu.assume_multiple %mul3A_267, 8 : i32
      %dma_start3A_269 = arith.constant 3 : i32
      %dma_start3A_270 = arith.constant 0 : i32
      %dma_start3A_271 = arith.constant 0 : i32
      %dma_start3A_272 = tpu.memref_slice %arg8[%dma_start3A_269, %dma_start3A_270, %dma_start3A_271] : memref<4x200x128xf32, #tpu.memory_space<vmem>> -> memref<1x200x64xf32, #tpu.memory_space<vmem>>
      %dma_start3A_273 = tpu.memref_squeeze %dma_start3A_272 : memref<1x200x64xf32, #tpu.memory_space<vmem>> -> memref<200x64xf32, #tpu.memory_space<vmem>>
      %dma_start3A_274 = arith.constant 0 : i32
      %dma_start3A_275 = tpu.memref_slice %arg5[%multiple_of3A_268, %dma_start3A_274] : memref<204800x64xf32, #tpu.memory_space<hbm>> -> memref<200x64xf32, #tpu.memory_space<hbm>>
      %dma_start3A_276 = arith.constant 0 : i32
      %dma_start3A_277 = tpu.memref_slice %arg5[%multiple_of3A_268, %dma_start3A_276] : memref<204800x64xf32, #tpu.memory_space<hbm>> -> memref<200x64xf32, #tpu.memory_space<hbm>>
      %dma_start3A_278 = arith.constant 0 : i32
      %dma_start3A_279 = arith.constant 0 : i32
      %dma_start3A_280 = tpu.memref_slice %arg8[%dma_start3A_269, %dma_start3A_278, %dma_start3A_279] : memref<4x200x128xf32, #tpu.memory_space<vmem>> -> memref<1x200x64xf32, #tpu.memory_space<vmem>>
      %dma_start3A_281 = tpu.memref_squeeze %dma_start3A_280 : memref<1x200x64xf32, #tpu.memory_space<vmem>> -> memref<200x64xf32, #tpu.memory_space<vmem>>
      tpu.enqueue_dma source(%dma_start3A_281 : memref<200x64xf32, #tpu.memory_space<vmem>>) target(%dma_start3A_277 : memref<200x64xf32, #tpu.memory_space<hbm>>) target_semaphore(%arg16 : memref<!tpu.dma_semaphore, #tpu.memory_space<semaphore_mem>>)
      %ge3A_282 = arith.constant 1 : i32
      %ge3A_283 = arith.cmpi sge, %add3A_246, %ge3A_282 : i32
      %convert_element_type3A_284 = arith.extui %ge3A_283 : i1 to i32
      %cond3A_285 = arith.constant 0 : i32
      %cond3A_286 = arith.cmpi ne, %convert_element_type3A_284, %cond3A_285 : i32
      scf.if %cond3A_286 {
        %dma_wait3A_296 = arith.constant 2 : i32
        %dma_wait3A_297 = arith.constant 0 : i32
        %dma_wait3A_298 = arith.constant 0 : i32
        %dma_wait3A_299 = tpu.memref_slice %arg8[%dma_wait3A_296, %dma_wait3A_297, %dma_wait3A_298] : memref<4x200x128xf32, #tpu.memory_space<vmem>> -> memref<1x200x64xf32, #tpu.memory_space<vmem>>
        %dma_wait3A_300 = tpu.memref_squeeze %dma_wait3A_299 : memref<1x200x64xf32, #tpu.memory_space<vmem>> -> memref<200x64xf32, #tpu.memory_space<vmem>>
        %dma_wait3A_301 = arith.constant 0 : i32
        %dma_wait3A_302 = arith.constant 0 : i32
        %dma_wait3A_303 = tpu.memref_slice %arg5[%dma_wait3A_301, %dma_wait3A_302] : memref<204800x64xf32, #tpu.memory_space<hbm>> -> memref<200x64xf32, #tpu.memory_space<hbm>>
        %dma_wait3A_304 = arith.constant 0 : i32
        %dma_wait3A_305 = arith.constant 0 : i32
        %dma_wait3A_306 = tpu.memref_slice %arg5[%dma_wait3A_304, %dma_wait3A_305] : memref<204800x64xf32, #tpu.memory_space<hbm>> -> memref<200x64xf32, #tpu.memory_space<hbm>>
        %dma_wait3A_307 = arith.constant 0 : i32
        %dma_wait3A_308 = arith.constant 0 : i32
        %dma_wait3A_309 = tpu.memref_slice %arg8[%dma_wait3A_296, %dma_wait3A_307, %dma_wait3A_308] : memref<4x200x128xf32, #tpu.memory_space<vmem>> -> memref<1x200x64xf32, #tpu.memory_space<vmem>>
        %dma_wait3A_310 = tpu.memref_squeeze %dma_wait3A_309 : memref<1x200x64xf32, #tpu.memory_space<vmem>> -> memref<200x64xf32, #tpu.memory_space<vmem>>
        tpu.wait_dma2 semaphore(%arg15 : memref<!tpu.dma_semaphore, #tpu.memory_space<semaphore_mem>>) src(%dma_wait3A_310 : memref<200x64xf32, #tpu.memory_space<vmem>>) dst(%dma_wait3A_306 : memref<200x64xf32, #tpu.memory_space<hbm>>)
      } else {
      }
      %add3A_287 = arith.constant 4 : i32
      %add3A_288 = arith.addi %add3A_246, %add3A_287 : i32
      %sub3A_289 = arith.constant 1 : i32
      %sub3A_290 = arith.subi %add3A_288, %sub3A_289 : i32
      %lt3A_291 = arith.constant 32 : i32
      %lt3A_292 = arith.cmpi slt, %sub3A_290, %lt3A_291 : i32
      %convert_element_type3A_293 = arith.extui %lt3A_292 : i1 to i32
      %cond3A_294 = arith.constant 0 : i32
      %cond3A_295 = arith.cmpi ne, %convert_element_type3A_293, %cond3A_294 : i32
      scf.if %cond3A_295 {
        %add3A_296 = arith.constant 4 : i32
        %add3A_297 = arith.addi %add3A_246, %add3A_296 : i32
        %sub3A_298 = arith.constant 1 : i32
        %sub3A_299 = arith.subi %add3A_297, %sub3A_298 : i32
        %mul3A_300 = arith.constant 200 : i32
        %mul3A_301 = arith.muli %sub3A_299, %mul3A_300 : i32
        %multiple_of3A_302 = tpu.assume_multiple %mul3A_301, 8 : i32
        %mul3A_303 = arith.constant 200 : i32
        %mul3A_304 = arith.muli %sub3A_299, %mul3A_303 : i32
        %add3A_305 = arith.constant 104 : i32
        %add3A_306 = arith.addi %mul3A_304, %add3A_305 : i32
        %multiple_of3A_307 = tpu.assume_multiple %add3A_306, 8 : i32
        %dma_start3A_308 = arith.constant 2 : i32
        %dma_start3A_309 = arith.constant 0 : i32
        %dma_start3A_310 = arith.constant 0 : i32
        %dma_start3A_311 = tpu.memref_slice %arg8[%dma_start3A_308, %dma_start3A_309, %dma_start3A_310] : memref<4x200x128xf32, #tpu.memory_space<vmem>> -> memref<1x104x128xf32, #tpu.memory_space<vmem>>
        %dma_start3A_312 = tpu.memref_squeeze %dma_start3A_311 : memref<1x104x128xf32, #tpu.memory_space<vmem>> -> memref<104x128xf32, #tpu.memory_space<vmem>>
        %dma_start3A_313 = tpu.memref_slice %arg7[%multiple_of3A_302] : memref<6400xi32, #tpu.memory_space<vmem>> -> memref<104xi32, #tpu.memory_space<vmem>>
        %dma_start3A_314 = arith.constant 0 : i32
        %dma_start3A_315 = arith.constant 0 : i32
        %dma_start3A_316 = tpu.memref_slice %arg3[%dma_start3A_314, %dma_start3A_315] : memref<1000000x128xf32, #tpu.memory_space<hbm>> -> memref<1000000x128xf32, #tpu.memory_space<hbm>>
        tpu.enqueue_indirect_dma source(%dma_start3A_316 : memref<1000000x128xf32, #tpu.memory_space<hbm>>) target(%dma_start3A_312 : memref<104x128xf32, #tpu.memory_space<vmem>>) offsets(%dma_start3A_313 : memref<104xi32, #tpu.memory_space<vmem>>) semaphore(%arg11 : memref<!tpu.dma_semaphore, #tpu.memory_space<semaphore_mem>>)
        %dma_start3A_317 = arith.constant 2 : i32
        %dma_start3A_318 = arith.constant 104 : i32
        %dma_start3A_319 = arith.constant 0 : i32
        %dma_start3A_320 = tpu.memref_slice %arg8[%dma_start3A_317, %dma_start3A_318, %dma_start3A_319] : memref<4x200x128xf32, #tpu.memory_space<vmem>> -> memref<1x96x128xf32, #tpu.memory_space<vmem>>
        %dma_start3A_321 = tpu.memref_squeeze %dma_start3A_320 : memref<1x96x128xf32, #tpu.memory_space<vmem>> -> memref<96x128xf32, #tpu.memory_space<vmem>>
        %dma_start3A_322 = tpu.memref_slice %arg7[%multiple_of3A_307] : memref<6400xi32, #tpu.memory_space<vmem>> -> memref<96xi32, #tpu.memory_space<vmem>>
        %dma_start3A_323 = arith.constant 0 : i32
        %dma_start3A_324 = arith.constant 0 : i32
        %dma_start3A_325 = tpu.memref_slice %arg3[%dma_start3A_323, %dma_start3A_324] : memref<1000000x128xf32, #tpu.memory_space<hbm>> -> memref<1000000x128xf32, #tpu.memory_space<hbm>>
        tpu.enqueue_indirect_dma source(%dma_start3A_325 : memref<1000000x128xf32, #tpu.memory_space<hbm>>) target(%dma_start3A_321 : memref<96x128xf32, #tpu.memory_space<vmem>>) offsets(%dma_start3A_322 : memref<96xi32, #tpu.memory_space<vmem>>) semaphore(%arg11 : memref<!tpu.dma_semaphore, #tpu.memory_space<semaphore_mem>>)
      } else {
      }
    }
    %scan3A_74 = arith.constant 8 : i32
    %dma_wait3A = arith.constant 3 : i32
    %dma_wait3A_75 = arith.constant 0 : i32
    %dma_wait3A_76 = arith.constant 0 : i32
    %dma_wait3A_77 = tpu.memref_slice %arg8[%dma_wait3A, %dma_wait3A_75, %dma_wait3A_76] : memref<4x200x128xf32, #tpu.memory_space<vmem>> -> memref<1x200x64xf32, #tpu.memory_space<vmem>>
    %dma_wait3A_78 = tpu.memref_squeeze %dma_wait3A_77 : memref<1x200x64xf32, #tpu.memory_space<vmem>> -> memref<200x64xf32, #tpu.memory_space<vmem>>
    %dma_wait3A_79 = arith.constant 0 : i32
    %dma_wait3A_80 = arith.constant 0 : i32
    %dma_wait3A_81 = tpu.memref_slice %arg5[%dma_wait3A_79, %dma_wait3A_80] : memref<204800x64xf32, #tpu.memory_space<hbm>> -> memref<200x64xf32, #tpu.memory_space<hbm>>
    %dma_wait3A_82 = arith.constant 0 : i32
    %dma_wait3A_83 = arith.constant 0 : i32
    %dma_wait3A_84 = tpu.memref_slice %arg5[%dma_wait3A_82, %dma_wait3A_83] : memref<204800x64xf32, #tpu.memory_space<hbm>> -> memref<200x64xf32, #tpu.memory_space<hbm>>
    %dma_wait3A_85 = arith.constant 0 : i32
    %dma_wait3A_86 = arith.constant 0 : i32
    %dma_wait3A_87 = tpu.memref_slice %arg8[%dma_wait3A, %dma_wait3A_85, %dma_wait3A_86] : memref<4x200x128xf32, #tpu.memory_space<vmem>> -> memref<1x200x64xf32, #tpu.memory_space<vmem>>
    %dma_wait3A_88 = tpu.memref_squeeze %dma_wait3A_87 : memref<1x200x64xf32, #tpu.memory_space<vmem>> -> memref<200x64xf32, #tpu.memory_space<vmem>>
    tpu.wait_dma2 semaphore(%arg16 : memref<!tpu.dma_semaphore, #tpu.memory_space<semaphore_mem>>) src(%dma_wait3A_88 : memref<200x64xf32, #tpu.memory_space<vmem>>) dst(%dma_wait3A_84 : memref<200x64xf32, #tpu.memory_space<hbm>>)
    return
  }
}

</mosaic_0001>

<sc_bundles>
// kernel: kernel.3.cloned.1.call-start
scs
__scs_entry_jumppad:
0x0: {  	(pc) =	sbr.rel $0x88, $3  }
0x1: {  	(tag) =	ssettag $0x0;
	lr =	simm.s32 $0x1  }
0x2: {  	[smem:$0x3F9F] =	sst lr;
	_ =	strace $0xD0000000  }
0x3: {  	_ = 	snop  }
0x4: {  	_ = 	snop  }
0x5: {  	_ = 	snop  }
0x6: {  	_ = 	snop  }
0x7: {  	_ = 	snop  }
__scs_overlays_trampoline_lowered:
0x8: {  	[smem:$0x3FAE] =	sst s0  }
0x9: {  	[smem:$0x3FAF] =	sst s1  }
0xa: {  	[smem:$0x3FB0] =	sst s2  }
0xb: {  	[smem:$0x3FB1] =	sst s3  }
0xc: {  	[smem:$0x3FB2] =	sst s4  }
0xd: {  	[smem:$0x3FB3] =	sst s5  }
0xe: {  	[smem:$0x3FB4] =	sst s6  }
0xf: {  	[smem:$0x3FB5] =	sst s7  }
0x10: {  	[smem:$0x3FB6] =	sst s8  }
0x11: {  	[smem:$0x3FB7] =	sst s9;
	s0 =	simm.s32 @!p0 $0x0  }
0x12: {  	s1 =	sld [smem:$0x3F9D];
	s0 =	simm.s32 @p0 $0x1  }
0x13: {  	[smem:$0x3FB8] =	sst s0;
	s0 =	simm.s32 @!p1 $0x0  }
0x14: {  	s2 =	sld [smem:$0x3F9C];
	s0 =	simm.s32 @p1 $0x1  }
0x15: {  	[smem:$0x3FB9] =	sst s0;
	s0 =	simm.s32 @!p2 $0x0  }
0x16: {  	s3 =	sld [smem:$0x3FDB];
	s0 =	simm.s32 @p2 $0x1  }
0x17: {  	s4 =	simm.s32 $0x1BF5;
	[smem:$0x3FBB] =	sst s0  }
0x18: {  	s0 =	sld [smem:$0x3F9E];
	_ =	swait.ge [sflag:s4], $0x0  }
0x19: {  	s7 =	sld [smem:$0x3F9F]  }
0x1a: {  	s8 =	sadd.s32 $0xFFFFE003, lr  }
0x1b: {  	s9 =	sadd.s32 $0xFFFFFEF7, lr;
	s5 =	simm.s32 $0xFFFFFFFF;
	p2 =	slt.u32 s8, $0xFFFFF086  }
0x1c: {  	p1 =	slt.u32 s9, $0xF7A;
	s5 =	simm.s32 @!p2 $0x0  }
0x1d: {  	s5 =	simm.s32 @p1 $0x1;
	p0 =	seq.s32 s7, s2  }
0x1e: {  	s7 =	smul.u32 @!p0 $0xF7A, s2;
	p2 =	seq.s32 @!p0 s5, $0x0  }
0x1f: {  	s9 =	smul.u32 $0xF7A, s1;
	s8 =	simm.s32 @!p0 $0x1BF5;
	p2 =	por !p2, p0  }
0x20: {  	[sflag:s8] =	ssyncset.s32 @!p0 $0xFFFFF086;
	s6 =	sadd.s32 @!p0 s3, s7;
	s7 =	simm.s32 @!p0 $0x108  }
0x21: {  	s3 =	sadd.s32 s3, s9;
	s6 =	sadd.s32 @!p0 $0x88, s6;
	s7 =	simm.s32 @p2 $0x1082  }
0x22: {  	[simem:s7], [sflag:s8] =	dma.local @!p0 [hbm:s6], $0xF7A  }
0x23: {  	s9 =	sor.u32 $0xD0000000, s2;
	s6 =	simm.s32 $0x108;
	_ =	swait.ge @!p0 [sflag:s8], $0x0  }
0x24: {  	s3 =	sadd.s32 $0x88, s3;
	s6 =	simm.s32 @!p1 $0x1082;
	[sflag:s4] =	ssyncset.s32 $0xFFFFF086  }
0x25: {  	[simem:s6], [sflag:s4] =	dma.local [hbm:s3], $0xF7A  }
0x26: {  	[smem:$0x3F9F] =	sst s1;
	(tag) =	ssettag s2;
	_ =	strace s9  }
0x27: {  	s1 =	sld [smem:$0x3FAF]  }
0x28: {  	s2 =	sld [smem:$0x3FB0]  }
0x29: {  	s4 =	sld [smem:$0x3FB2]  }
0x2a: {  	p0 =	seq.s32 s5, $0x0;
	s5 =	sld [smem:$0x3FB3]  }
0x2b: {  	s6 =	sld [smem:$0x3FB4]  }
0x2c: {  	s7 =	sld [smem:$0x3FB5]  }
0x2d: {  	s3 =	simm.s32 $0x108;
	s8 =	sld [smem:$0x3FB6]  }
0x2e: {  	s3 =	simm.s32 @!p0 $0x1082;
	s9 =	sld [smem:$0x3FB7]  }
0x2f: {  	lr =	sadd.s32 s0, s3;
	s0 =	sld [smem:$0x3FAE]  }
0x30: {  	s3 =	sld [smem:$0x3FB1]  }
0x31: {  	[smem:$0x3FBA] =	sst s10  }
0x32: {  	s10 =	sld [smem:$0x3FB8];
	_ =	sdelay $0x3  }
0x33: {  	p0 =	seq.s32 s10, $0x1;
	s10 =	sld [smem:$0x3FBA];
	_ =	sdelay $0x3  }
0x34: {  	[smem:$0x3FBA] =	sst s10  }
0x35: {  	s10 =	sld [smem:$0x3FB9];
	_ =	sdelay $0x3  }
0x36: {  	p1 =	seq.s32 s10, $0x1;
	s10 =	sld [smem:$0x3FBA];
	_ =	sdelay $0x3  }
0x37: {  	[smem:$0x3FBA] =	sst s10  }
0x38: {  	s10 =	sld [smem:$0x3FBB]  }
0x39: {  	_ = 	snop;
	(pc) =	sbr.ind lr, $3  }
0x3a: {  	_ = 	snop  }
0x3b: {  	_ = 	snop  }
0x3c: {  	p2 =	seq.s32 s10, $0x1;
	s10 =	sld [smem:$0x3FBA]  }
0x3d: {  	_ =	shalt  }
0x3e: {  	_ =	shalt  }
0x3f: {  	_ =	shalt  }
0x40: {  	_ =	shalt  }
0x41: {  	_ =	shalt  }
0x42: {  	_ =	shalt  }
0x43: {  	_ =	shalt  }
0x44: {  	_ =	shalt  }
0x45: {  	_ =	shalt  }
0x46: {  	_ =	shalt  }
0x47: {  	_ =	shalt  }
0x48: {  	_ =	shalt  }
0x49: {  	_ =	shalt  }
0x4a: {  	_ =	shalt  }
0x4b: {  	_ =	shalt  }
0x4c: {  	_ =	shalt  }
0x4d: {  	_ =	shalt  }
0x4e: {  	_ =	shalt  }
0x4f: {  	_ =	shalt  }
0x50: {  	_ =	shalt  }
0x51: {  	_ =	shalt  }
0x52: {  	_ =	shalt  }
0x53: {  	_ =	shalt  }
0x54: {  	_ =	shalt  }
0x55: {  	_ =	shalt  }
0x56: {  	_ =	shalt  }
0x57: {  	_ =	shalt  }
0x58: {  	_ =	shalt  }
0x59: {  	_ =	shalt  }
0x5a: {  	_ =	shalt  }
0x5b: {  	_ =	shalt  }
0x5c: {  	_ =	shalt  }
0x5d: {  	_ =	shalt  }
0x5e: {  	_ =	shalt  }
0x5f: {  	_ =	shalt  }
0x60: {  	_ =	shalt  }
0x61: {  	_ =	shalt  }
0x62: {  	_ =	shalt  }
0x63: {  	_ =	shalt  }
0x64: {  	_ =	shalt  }
0x65: {  	_ =	shalt  }
0x66: {  	_ =	shalt  }
0x67: {  	_ =	shalt  }
0x68: {  	_ =	shalt  }
0x69: {  	_ =	shalt  }
0x6a: {  	_ =	shalt  }
0x6b: {  	_ =	shalt  }
0x6c: {  	_ =	shalt  }
0x6d: {  	_ =	shalt  }
0x6e: {  	_ =	shalt  }
0x6f: {  	_ =	shalt  }
0x70: {  	_ =	shalt  }
0x71: {  	_ =	shalt  }
0x72: {  	_ =	shalt  }
0x73: {  	_ =	shalt  }
0x74: {  	_ =	shalt  }
0x75: {  	_ =	shalt  }
0x76: {  	_ =	shalt  }
0x77: {  	_ =	shalt  }
0x78: {  	_ =	shalt  }
0x79: {  	_ =	shalt  }
0x7a: {  	_ =	shalt  }
0x7b: {  	_ =	shalt  }
0x7c: {  	_ =	shalt  }
0x7d: {  	_ =	shalt  }
0x7e: {  	_ =	shalt  }
0x7f: {  	_ =	shalt  }
0x80: {  	_ =	shalt  }
0x81: {  	_ =	shalt  }
0x82: {  	_ =	shalt  }
0x83: {  	_ =	shalt  }
0x84: {  	_ =	shalt  }
0x85: {  	_ =	shalt  }
0x86: {  	_ =	shalt  }
0x87: {  	_ =	shalt  }
.Lfunc_end0:
.L_simem_size_0:
called_computation.1_lowered:
.L_overlay_start_0:
0x88: {  	s2 =	sld [smem:$0x3FD9]  }
0x89: {  	s3 =	sld [smem:$0x3FFE];
	_ =	sdelay $0x1  }
0x8a: {  	s1 =	srdreg.scid  }
0x8b: {  	s0 =	sand.u32 $0x1, s1  }
0x8c: {  	s17 =	sshll.u32 s0, $0xA;
	s2 =	sadd.s32 s3, s2  }
0x8d: {  	s2 =	sadd.s32 s2, s17  }
0x8e: {  	[smem:$0x3FC6] =	sst s2  }
0x8f: {  	_ = 	snop  }
0x90: {  	s2 =	sld [smem:$0x3FD0];
	(tm) =	ssettm $0x1  }
0x91: {  	s18 =	sld [smem:$0x3FFB];
	_ =	sdelay $0x3  }
0x92: {  	_ =	strace s18  }
0x93: {  	s3 =	sld [smem:$0x3FFC];
	_ =	sdelay $0x3  }
0x94: {  	_ =	strace s3  }
0x95: {  	s3 =	sld [smem:$0x3FFD];
	_ =	sdelay $0x3  }
0x96: {  	_ =	strace s3  }
0x97: {  	_ =	strace $0x8FFFFFFF  }
0x98: {  	s19 =	sld [smem:$0x3FDB];
	_ =	sdelay $0x1  }
0x99: {  	s4 =	simm.s32 $_scs_section_size  }
0x9a: {  	s5 =	simm.s32 $_size__tile_overlayer_lowered;
	s6 =	simm.s32 $_tile_overlayer_lowered  }
0x9b: {  	s22 =	simm.s32 $0x1BFF;
	s21 =	sshll.u32 s6, $0x1;
	s3 =	sadd.s32 s4, s19  }
0x9c: {  	s7 =	simm.s32 $0x0;
	s20 =	sshll.u32 s5, $0x1;
	s5 =	sadd.s32 s21, s3  }
0x9d: {  	[timem:s7], [sflag:s22] =	dma.local [hbm:s5], s20  }
0x9e: {  	_ =	swait.ge [sflag:s22], s20  }
0x9f: {  	s4 =	ssub.s32 $0x0, s20;
	[sflag:s22] =	ssyncset.done $0x0  }
0xa0: {  	[sflag:s22] =	ssyncadd.s32 s4;
	_ =	sdelay $0x1  }
0xa1: {  	s23 =	simm.s32 $0x1B8B  }
0xa2: {  	_ =	swait.ge [sflag:s23], $0x1  }
0xa3: {  	[sflag:s23] =	ssyncset.done $0x0  }
0xa4: {  	s25 =	simm.s32 $0x1B8E;
	s24 =	sld [smem:$0x3FFE];
	[sflag:s23] =	ssyncadd.s32 $0xFFFFFFFF  }
0xa5: {  	s26 =	simm.s32 $execute0_lowered;
	[smem:$0x3FD2] =	sst s25  }
0xa6: {  	s5 =	sshll.u32 s26, $0x1;
	_ =	strace $0x80000046;
	[dreg:$0x1] =	wrdreg $0xFFFFFFFF  }
0xa7: {  	s28 =	simm.s32 $_size_execute0_lowered;
	s3 =	sadd.s32 s3, s5;
	[dreg:$0x0] =	wrdreg $0x0  }
0xa8: {  	s5 =	sshll.u32 s28, $0x1;
	[dreg:$0x2] =	wrdreg s3  }
0xa9: {  	[dreg:$0x3] =	wrdreg s5  }
0xaa: {  	[dreg:$0x4] =	wrdreg $0xC0  }
0xab: {  	_ =	task [dreg:s7], $0x5FFFF  }
0xac: {  	[dreg:$0x1] =	wrdreg $0xFFFFFFFF  }
0xad: {  	[dreg:$0x0] =	wrdreg $0x60  }
0xae: {  	[dreg:$0x2] =	wrdreg s24  }
0xaf: {  	[dreg:$0x3] =	wrdreg s2  }
0xb0: {  	[dreg:$0x4] =	wrdreg $0x9  }
0xb1: {  	_ =	task.clear_ibuf [dreg:s7], $0x5FFFF;
	_ =	strace $0x90000046  }
0xb2: {  	s29 =	simm.s32 $0x9;
	_ =	strace $0x80000048  }
0xb3: {  	_ =	swait.ge [sflag:s29], $0x1  }
0xb4: {  	[sflag:s29] =	ssyncadd.s32 $0xFFFFFFFF  }
0xb5: {  	_ =	strace $0x90000048  }
0xb6: {  	_ =	sfence  }
0xb7: {  	s30 =	sld [smem:$0x0];
	_ =	sdelay $0x2  }
0xb8: {  	s31 =	sshll.u32 s1, $0xD;
	s1 =	sshrl.u32 s1, $0x2  }
0xb9: {  	s3 =	sand.u32 $0x4000, s31;
	s1 =	sadd.s32 s1, s30  }
0xba: {  	s0 =	sor.u32 s3, s0;
	s1 =	sshll.u32 s1, $0x11  }
0xbb: {  	s0 =	sor.u32 s1, s0  }
0xbc: {  	s0 =	sadd.s32 $0x8F2B, s0  }
0xbd: {  	[sflag:s0] =	ssyncadd.remote.s32 $0x1  }
0xbe: {  	_ =	sfence.sel $0xFFFF  }
0xbf: {  	[dreg:$0x0] =	wrdreg $0xFFFFFFFF;
	(pc) =	sbr.abs _section_cstart, $3  }
0xc0: {  	[dreg:$0x1] =	wrdreg $0xFFFFFFFF  }
0xc1: {  	_ =	task.clear_ibuf [dreg:s7], $0x2FFFF;
	_ =	strace $0x9FFFFFFF  }
0xc2: {  	(tm) =	ssettm $0x7FFFFFFF  }
0xc3: {  	_ =	shalt  }
tec
execute0_lowered:
.L_overlay_start_1:
0x0: {  	(tag) =	ssettag $0x1  }
0x1: {  	s0 =	srdreg.scid  }
0x2: {  	s2 =	stileid.u32;
	s1 =	rddreg [dreg:$0x0];
	s9 =	simm.s32 $0x9  }
0x3: {  	s11 =	simm.s32 $0x68;
	s13 =	simm.s32 $0x60;
	s21 =	simm.s32 $0x11300  }
0x4: {  	s23 =	simm.s32 $0x14700;
	s24 =	simm.s32 $0x1;
	s25 =	simm.s32 $0x17700  }
0x5: {  	s28 =	simm.s32 $0x2;
	s29 =	simm.s32 $0x5;
	s30 =	simm.s32 $0x3  }
0x6: {  	s31 =	simm.s32 $0x6;
	s0 =	sand.u32 $0x1, s0;
	s3 =	sshll.u32 s2, $0x1  }
0x7: {  	s12 =	simm.s32 $0x8;
	s14 =	simm.s32 $0x0;
	s6 =	sor.u32 s0, s3  }
0x8: {  	s2 =	rddreg [dreg:$0x1];
	s5 =	sadd.s32 $0xF49400, s1;
	s4 =	smul.u32 $0x320, s6  }
.Ltmp0:
0x9: {  	s3 =	simm.s32 $0x0;
	s0 =	ssub.s32 $0x2, s0;
	(pc) =	sbr.rel .LBB2_1-.Ltmp0, $4  }
0xa: {  	[smem:$0x7FF] =	sst s3;
	s26 =	sshrl.u32 s0, $0x1;
	s6 =	sshll.u32 s6, $0x5  }
0xb: {  	_ =	strace $0x80000047;
	s0 =	ssub.s32 s0, s26;
	s26 =	simm.s32 $0x1AB00  }
0xc: {  	s7 =	sadd.s32 s4, s1;
	s4 =	sadd.s32 $0xF49C00, s1;
	s8 =	smax.u32 s0, $0x1  }
0xd: {  	s1 =	simm.s32 $0x4;
	s0 =	simm.s32 $0x7;
	s7 =	sadd.s32 $0xF43000, s7  }
.LBB2_20:
0xe: {  	s14 =	sadd.s32 $0x1, s14  }
0xf: {  	p0 =	sne.s32 s14, s8  }
.Ltmp1:
0x10: {  	_ = 	snop;
	(pc) =	sbr.rel @!p0 .LBB2_21-.Ltmp1, $4  }
0x11: {  	_ = 	snop  }
0x12: {  	_ =	swait.ge [sflag:s12], $0x3200  }
0x13: {  	[sflag:s12] =	ssyncset.done $0x0  }
0x14: {  	[sflag:s12] =	ssyncadd.s32 $0xFFFFCE00  }
.LBB2_1:
0x15: {  	[tilespmem:s3], [sflag:$0x9] =	stream.linear.gather [hbm4b:s5+s3], $0x3200, $0x38;
	[tilespmem:$0x1DB00] =	vst v63  }
0x16: {  	_ =	swait.ge [sflag:s9], $0x3200  }
0x17: {  	[sflag:s9] =	ssyncset.done $0x0  }
0x18: {  	s10 =	simm.s32 $0x3200;
	[sflag:s9] =	ssyncadd.s32 $0xFFFFCE00  }
0x19: {  	[tilespmem:s10], [sflag:$0x9] =	stream.linear.gather [hbm4b:s7+s3], $0x1900, $0x38;
	[tilespmem:$0x1DB00] =	vst v63  }
0x1a: {  	_ =	swait.ge [sflag:s9], $0x1900  }
0x1b: {  	[sflag:s9] =	ssyncset.done $0x0  }
0x1c: {  	s15 =	simm.s32 $0x4B00;
	[sflag:s9] =	ssyncadd.s32 $0xFFFFE700  }
0x1d: {  	[tilespmem:s15], [sflag:$0x1] =	stream.indirect.gather [hbm4b:s4+s11], $0x80, s10, s11, $0xb8;
	[tilespmem:$0x1DB00] =	vst v63  }
0x1e: {  	s20 =	simm.s32 $0x3268;
	s22 =	simm.s32 $0x7F00  }
0x1f: {  	[tilespmem:s22], [sflag:$0x1] =	stream.indirect.gather [hbm4b:s4+s13], $0x80, s20, s13, $0xb8;
	[tilespmem:$0x1DB00] =	vst v63  }
0x20: {  	s16 =	simm.s32 $0x32C8;
	s17 =	simm.s32 $0xAF00  }
0x21: {  	[tilespmem:s17], [sflag:$0x2] =	stream.indirect.gather [hbm4b:s4+s11], $0x80, s16, s11, $0xb8;
	[tilespmem:$0x1DB00] =	vst v63  }
0x22: {  	s18 =	simm.s32 $0x3330;
	s19 =	simm.s32 $0xE300  }
0x23: {  	[tilespmem:s19], [sflag:$0x2] =	stream.indirect.gather [hbm4b:s4+s13], $0x80, s18, s13, $0xb8;
	[tilespmem:$0x1DB00] =	vst v63  }
0x24: {  	s20 =	simm.s32 $0x3390  }
0x25: {  	[tilespmem:s21], [sflag:$0x3] =	stream.indirect.gather [hbm4b:s4+s11], $0x80, s20, s11, $0xb8;
	[tilespmem:$0x1DB00] =	vst v63  }
0x26: {  	s15 =	simm.s32 $0x0;
	s22 =	simm.s32 $0x33F8  }
0x27: {  	[tilespmem:s23], [sflag:$0x3] =	stream.indirect.gather [hbm4b:s4+s13], $0x80, s22, s13, $0xb8;
	[tilespmem:$0x1DB00] =	vst v63  }
.LBB2_2:
0x28: {  	_ =	swait.ge [sflag:s24], $0x6400  }
0x29: {  	[sflag:s24] =	ssyncset.done $0x0  }
0x2a: {  	s16 =	simm.s32 $0x4C00;
	[sflag:s24] =	ssyncadd.s32 $0xFFFF9C00  }
0x2b: {  	s17 =	simm.s32 $0x80;
	v0 =	vld [tilespmem:s16+$0x80]  }
0x2c: {  	v1 =	vld [tilespmem:s17+$0x40]  }
0x2d: {  	v2 =	vld [tilespmem:s16+$0xFFFFFF80]  }
0x2e: {  	v3 =	vld [tilespmem:s17+$0xFFFFFFC0]  }
0x2f: {  	v4 =	vld [tilespmem:s16+$0x0]  }
0x30: {  	v5 =	vld [tilespmem:s17+$0x0]  }
0x31: {  	v6 =	vld [tilespmem:s16+$0xFFFFFF00];
	v0 =	vadd.f32 v1, v0  }
0x32: {  	v1 =	vld [tilespmem:s17+$0xFFFFFF80]  }
0x33: {  	[tilespmem:s16+$0x80] =	vst v0;
	v0 =	vld [tilespmem:s16+$0x90]  }
0x34: {  	v2 =	vadd.f32 v3, v2;
	v3 =	vld [tilespmem:s17+$0x50]  }
0x35: {  	v7 =	vld [tilespmem:s16+$0xFFFFFF10]  }
0x36: {  	[tilespmem:s16+$0xFFFFFF80] =	vst v2;
	v2 =	vadd.f32 v5, v4;
	v4 =	vld [tilespmem:s16+$0xFFFFFF90]  }
0x37: {  	v5 =	vld [tilespmem:s17+$0xFFFFFFD0];
	v1 =	vadd.f32 v1, v6  }
0x38: {  	[tilespmem:s16+$0x0] =	vst v2;
	v2 =	vld [tilespmem:s16+$0x10]  }
0x39: {  	v6 =	vld [tilespmem:s17+$0x10];
	[tilespmem:s16+$0xFFFFFF00] =	vst v1;
	v0 =	vadd.f32 v3, v0  }
0x3a: {  	v1 =	vld [tilespmem:s17+$0xFFFFFF90]  }
0x3b: {  	[tilespmem:s16+$0x90] =	vst v0;
	v0 =	vld [tilespmem:s16+$0xA0]  }
0x3c: {  	v3 =	vadd.f32 v5, v4;
	v4 =	vld [tilespmem:s17+$0x60]  }
0x3d: {  	v5 =	vld [tilespmem:s16+$0xFFFFFF20]  }
0x3e: {  	[tilespmem:s16+$0xFFFFFF90] =	vst v3;
	v2 =	vadd.f32 v6, v2;
	v3 =	vld [tilespmem:s16+$0xFFFFFFA0]  }
0x3f: {  	v6 =	vld [tilespmem:s17+$0xFFFFFFE0];
	v1 =	vadd.f32 v1, v7  }
0x40: {  	[tilespmem:s16+$0x10] =	vst v2;
	v2 =	vld [tilespmem:s16+$0x20]  }
0x41: {  	v7 =	vld [tilespmem:s17+$0x20];
	[tilespmem:s16+$0xFFFFFF10] =	vst v1;
	v0 =	vadd.f32 v4, v0  }
0x42: {  	v4 =	vld [tilespmem:s17+$0xFFFFFFA0]  }
0x43: {  	v8 =	vld [tilespmem:s16+$0xB0];
	[tilespmem:s16+$0xA0] =	vst v0  }
0x44: {  	v1 =	vadd.f32 v6, v3;
	v6 =	vld [tilespmem:s17+$0x70]  }
0x45: {  	v0 =	vld [tilespmem:s16+$0xFFFFFF30]  }
0x46: {  	[tilespmem:s16+$0xFFFFFFA0] =	vst v1;
	v2 =	vadd.f32 v7, v2;
	v1 =	vld [tilespmem:s16+$0xFFFFFFB0]  }
0x47: {  	v3 =	vld [tilespmem:s17+$0xFFFFFFF0];
	v4 =	vadd.f32 v4, v5  }
0x48: {  	[tilespmem:s16+$0x20] =	vst v2;
	v2 =	vld [tilespmem:s16+$0x30]  }
0x49: {  	[tilespmem:s16+$0xFFFFFF20] =	vst v4;
	v4 =	vld [tilespmem:s17+$0x30];
	v6 =	vadd.f32 v6, v8  }
0x4a: {  	s18 =	simm.s32 $0x0;
	s19 =	simm.s32 $0x4E00;
	v5 =	vld [tilespmem:s17+$0xFFFFFFB0]  }
.LBB2_3:
0x4b: {  	v7 =	vld [tilespmem:s19+$0x80];
	[tilespmem:s16+$0xB0] =	vst v6;
	s17 =	sadd.s32 $0x100, s17  }
0x4c: {  	s18 =	sadd.s32 $0x4, s18;
	v6 =	vld [tilespmem:s17+$0x40];
	v1 =	vadd.f32 v3, v1  }
0x4d: {  	p0 =	slt.u32 s18, $0xC4;
	v3 =	vld [tilespmem:s17+$0xFFFFFF80]  }
0x4e: {  	v8 =	vld [tilespmem:s19+$0xFFFFFF80];
	[tilespmem:s16+$0xFFFFFFB0] =	vst v1;
	v1 =	vadd.f32 v4, v2  }
0x4f: {  	v2 =	vld [tilespmem:s17+$0xFFFFFFC0];
	v0 =	vadd.f32 v5, v0  }
0x50: {  	v4 =	vld [tilespmem:s19+$0x0];
	[tilespmem:s16+$0x30] =	vst v1  }
0x51: {  	v1 =	vld [tilespmem:s17+$0x0];
	v5 =	vadd.f32 v6, v7;
	[tilespmem:s16+$0xFFFFFF30] =	vst v0;
	s16 =	smov.u32 s19  }
0x52: {  	v0 =	vld [tilespmem:s19+$0xFFFFFF00]  }
0x53: {  	[tilespmem:s19+$0x80] =	vst v5;
	v5 =	vld [tilespmem:s19+$0x90]  }
0x54: {  	v2 =	vadd.f32 v2, v8;
	v6 =	vld [tilespmem:s17+$0x50]  }
0x55: {  	v7 =	vld [tilespmem:s19+$0xFFFFFF10]  }
0x56: {  	[tilespmem:s19+$0xFFFFFF80] =	vst v2;
	v2 =	vld [tilespmem:s19+$0xFFFFFF90];
	v1 =	vadd.f32 v1, v4  }
0x57: {  	v0 =	vadd.f32 v3, v0;
	v3 =	vld [tilespmem:s17+$0xFFFFFFD0]  }
0x58: {  	[tilespmem:s19+$0x0] =	vst v1;
	v1 =	vld [tilespmem:s19+$0x10]  }
0x59: {  	[tilespmem:s19+$0xFFFFFF00] =	vst v0;
	v0 =	vld [tilespmem:s17+$0x10];
	v4 =	vadd.f32 v6, v5  }
0x5a: {  	v5 =	vld [tilespmem:s17+$0xFFFFFF90]  }
0x5b: {  	[tilespmem:s19+$0x90] =	vst v4;
	v4 =	vld [tilespmem:s19+$0xA0]  }
0x5c: {  	v2 =	vadd.f32 v3, v2;
	v3 =	vld [tilespmem:s17+$0x60]  }
0x5d: {  	v6 =	vld [tilespmem:s19+$0xFFFFFF20]  }
0x5e: {  	[tilespmem:s19+$0xFFFFFF90] =	vst v2;
	v2 =	vld [tilespmem:s19+$0xFFFFFFA0];
	v0 =	vadd.f32 v0, v1  }
0x5f: {  	v1 =	vadd.f32 v5, v7;
	v5 =	vld [tilespmem:s17+$0xFFFFFFE0]  }
0x60: {  	[tilespmem:s19+$0x10] =	vst v0;
	v7 =	vld [tilespmem:s19+$0x20]  }
0x61: {  	[tilespmem:s19+$0xFFFFFF10] =	vst v1;
	v8 =	vld [tilespmem:s17+$0x20];
	v0 =	vadd.f32 v3, v4  }
0x62: {  	v3 =	vld [tilespmem:s17+$0xFFFFFFA0]  }
0x63: {  	[tilespmem:s19+$0xA0] =	vst v0;
	v9 =	vld [tilespmem:s19+$0xB0]  }
0x64: {  	v1 =	vadd.f32 v5, v2;
	v5 =	vld [tilespmem:s17+$0x70]  }
0x65: {  	v0 =	vld [tilespmem:s19+$0xFFFFFF30]  }
.Ltmp2:
0x66: {  	[tilespmem:s19+$0xFFFFFFA0] =	vst v1;
	v1 =	vld [tilespmem:s19+$0xFFFFFFB0];
	v2 =	vadd.f32 v8, v7;
	(pc) =	sbr.rel @p0 .LBB2_3-.Ltmp2, $4  }
0x67: {  	v4 =	vadd.f32 v3, v6;
	v3 =	vld [tilespmem:s17+$0xFFFFFFF0]  }
0x68: {  	[tilespmem:s19+$0x20] =	vst v2;
	v2 =	vld [tilespmem:s19+$0x30]  }
0x69: {  	[tilespmem:s19+$0xFFFFFF20] =	vst v4;
	v4 =	vld [tilespmem:s17+$0x30];
	v6 =	vadd.f32 v5, v9  }
0x6a: {  	s19 =	sadd.s32 $0x200, s19;
	v5 =	vld [tilespmem:s17+$0xFFFFFFB0]  }
0x6b: {  	_ = 	snop  }
0x6c: {  	s17 =	sshll.u32 s15, $0x2  }
0x6d: {  	v1 =	vadd.f32 v3, v1;
	s10 =	sadd.s32 s6, s17  }
0x6e: {  	[tilespmem:s16+$0xB0] =	vst v6;
	s10 =	smul.u32 $0x640, s10;
	v2 =	vadd.f32 v4, v2  }
0x6f: {  	[tilespmem:s16+$0xFFFFFFB0] =	vst v1;
	v0 =	vadd.f32 v5, v0  }
0x70: {  	s18 =	simm.s32 $0x4B00;
	s10 =	sadd.s32 s2, s10;
	[tilespmem:s16+$0x30] =	vst v2  }
0x71: {  	s19 =	simm.s32 $0x4B80;
	s20 =	sadd.s32 $0x0, s10;
	[tilespmem:s16+$0xFFFFFF30] =	vst v0;
	s16 =	simm.s32 $0x8  }
.LBB2_5:
0x72: {  	[hbm4b:s20+s3] =	stream.linear.scatter [tilespmem:s18], [sflag:$0x5], $0x40, $0x38;
	[tilespmem:$0x1DB00] =	vst v63  }
0x73: {  	s20 =	smov.u32 s16;
	s18 =	smov.u32 s19;
	p0 =	sne.s32 s16, $0x638  }
.Ltmp3:
0x74: {  	s16 =	sadd.s32 $0x8, s16;
	(pc) =	sbr.rel @p0 .LBB2_5-.Ltmp3, $2  }
0x75: {  	_ =	sdelay $0x2  }
0x76: {  	s19 =	sadd.s32 $0x80, s19;
	s20 =	sadd.s32 s20, s10  }
0x77: {  	[hbm4b:s20+s3] =	stream.linear.scatter [tilespmem:s18], [sflag:$0x5], $0x40, $0x38;
	[tilespmem:$0x1DB00] =	vst v63  }
0x78: {  	p0 =	seq.s32 s15, $0x0;
	s16 =	sor.u32 $0x3, s17  }
0x79: {  	s10 =	simm.s32 @!p0 $0x8;
	s19 =	smul.u32 $0x320, s16  }
0x7a: {  	_ =	swait.ge @!p0 [sflag:s10], $0x3200  }
0x7b: {  	[sflag:s10] =	ssyncset.done @!p0 $0x0;
	s18 =	sshra.s32 s19, $0x2  }
0x7c: {  	[sflag:s10] =	ssyncadd.s32 @!p0 $0xFFFFCE00;
	s20 =	sadd.s32 $0x3200, s18  }
0x7d: {  	[tilespmem:s25], [sflag:$0x4] =	stream.indirect.gather [hbm4b:s4+s11], $0x80, s20, s11, $0xb8;
	[tilespmem:$0x1DB00] =	vst v63  }
0x7e: {  	s22 =	sadd.s32 $0x3268, s18  }
0x7f: {  	[tilespmem:s26], [sflag:$0x4] =	stream.indirect.gather [hbm4b:s4+s13], $0x80, s22, s13, $0xb8;
	[tilespmem:$0x1DB00] =	vst v63  }
0x80: {  	_ =	swait.ge [sflag:s28], $0x6400  }
0x81: {  	[sflag:s28] =	ssyncset.done $0x0  }
0x82: {  	s18 =	simm.s32 $0xB0B0;
	[sflag:s28] =	ssyncadd.s32 $0xFFFF9C00  }
0x83: {  	s19 =	simm.s32 $0x80;
	v0 =	vld [tilespmem:s18+$0xFFFFFFD0]  }
0x84: {  	v1 =	vld [tilespmem:s19+$0x40]  }
0x85: {  	v2 =	vld [tilespmem:s18+$0xFFFFFED0]  }
0x86: {  	v3 =	vld [tilespmem:s19+$0xFFFFFFC0]  }
0x87: {  	v4 =	vld [tilespmem:s18+$0xFFFFFF50]  }
0x88: {  	v5 =	vld [tilespmem:s19+$0x0]  }
0x89: {  	v6 =	vld [tilespmem:s18+$0xFFFFFE50];
	v0 =	vadd.f32 v1, v0  }
0x8a: {  	v1 =	vld [tilespmem:s19+$0xFFFFFF80]  }
0x8b: {  	[tilespmem:s18+$0xFFFFFFD0] =	vst v0;
	v0 =	vld [tilespmem:s18+$0xFFFFFFE0]  }
0x8c: {  	v2 =	vadd.f32 v3, v2;
	v3 =	vld [tilespmem:s19+$0x50]  }
0x8d: {  	v7 =	vld [tilespmem:s18+$0xFFFFFE60]  }
0x8e: {  	[tilespmem:s18+$0xFFFFFED0] =	vst v2;
	v2 =	vadd.f32 v5, v4;
	v4 =	vld [tilespmem:s18+$0xFFFFFEE0]  }
0x8f: {  	v5 =	vld [tilespmem:s19+$0xFFFFFFD0];
	v1 =	vadd.f32 v1, v6  }
0x90: {  	[tilespmem:s18+$0xFFFFFF50] =	vst v2;
	v2 =	vld [tilespmem:s18+$0xFFFFFF60]  }
0x91: {  	v6 =	vld [tilespmem:s19+$0x10];
	[tilespmem:s18+$0xFFFFFE50] =	vst v1;
	v0 =	vadd.f32 v3, v0  }
0x92: {  	v1 =	vld [tilespmem:s19+$0xFFFFFF90]  }
0x93: {  	[tilespmem:s18+$0xFFFFFFE0] =	vst v0;
	v0 =	vld [tilespmem:s18+$0xFFFFFFF0]  }
0x94: {  	v3 =	vadd.f32 v5, v4;
	v4 =	vld [tilespmem:s19+$0x60]  }
0x95: {  	v5 =	vld [tilespmem:s18+$0xFFFFFE70]  }
0x96: {  	[tilespmem:s18+$0xFFFFFEE0] =	vst v3;
	v2 =	vadd.f32 v6, v2;
	v3 =	vld [tilespmem:s18+$0xFFFFFEF0]  }
0x97: {  	v6 =	vld [tilespmem:s19+$0xFFFFFFE0];
	v1 =	vadd.f32 v1, v7  }
0x98: {  	[tilespmem:s18+$0xFFFFFF60] =	vst v2;
	v2 =	vld [tilespmem:s18+$0xFFFFFF70]  }
0x99: {  	v7 =	vld [tilespmem:s19+$0x20];
	[tilespmem:s18+$0xFFFFFE60] =	vst v1;
	v0 =	vadd.f32 v4, v0  }
0x9a: {  	v4 =	vld [tilespmem:s19+$0xFFFFFFA0]  }
0x9b: {  	v8 =	vld [tilespmem:s18+$0x0];
	[tilespmem:s18+$0xFFFFFFF0] =	vst v0  }
0x9c: {  	v1 =	vadd.f32 v6, v3;
	v6 =	vld [tilespmem:s19+$0x70]  }
0x9d: {  	v0 =	vld [tilespmem:s18+$0xFFFFFE80]  }
0x9e: {  	[tilespmem:s18+$0xFFFFFEF0] =	vst v1;
	v2 =	vadd.f32 v7, v2;
	v1 =	vld [tilespmem:s18+$0xFFFFFF00]  }
0x9f: {  	v3 =	vld [tilespmem:s19+$0xFFFFFFF0];
	v4 =	vadd.f32 v4, v5  }
0xa0: {  	[tilespmem:s18+$0xFFFFFF70] =	vst v2;
	v2 =	vld [tilespmem:s18+$0xFFFFFF80]  }
0xa1: {  	[tilespmem:s18+$0xFFFFFE70] =	vst v4;
	v4 =	vld [tilespmem:s19+$0x30];
	v6 =	vadd.f32 v6, v8  }
0xa2: {  	s20 =	simm.s32 $0x0;
	s22 =	simm.s32 $0xB2B0;
	v5 =	vld [tilespmem:s19+$0xFFFFFFB0]  }
.LBB2_7:
0xa3: {  	v7 =	vld [tilespmem:s22+$0xFFFFFFD0];
	[tilespmem:s18+$0x0] =	vst v6;
	s19 =	sadd.s32 $0x100, s19  }
0xa4: {  	s20 =	sadd.s32 $0x4, s20;
	v6 =	vld [tilespmem:s19+$0x40];
	v1 =	vadd.f32 v3, v1  }
0xa5: {  	p0 =	slt.u32 s20, $0xC4;
	v3 =	vld [tilespmem:s19+$0xFFFFFF80]  }
0xa6: {  	v8 =	vld [tilespmem:s22+$0xFFFFFED0];
	[tilespmem:s18+$0xFFFFFF00] =	vst v1;
	v1 =	vadd.f32 v4, v2  }
0xa7: {  	v2 =	vld [tilespmem:s19+$0xFFFFFFC0];
	v0 =	vadd.f32 v5, v0  }
0xa8: {  	v4 =	vld [tilespmem:s22+$0xFFFFFF50];
	[tilespmem:s18+$0xFFFFFF80] =	vst v1  }
0xa9: {  	v1 =	vld [tilespmem:s19+$0x0];
	v5 =	vadd.f32 v6, v7;
	[tilespmem:s18+$0xFFFFFE80] =	vst v0;
	s18 =	smov.u32 s22  }
0xaa: {  	v0 =	vld [tilespmem:s22+$0xFFFFFE50]  }
0xab: {  	[tilespmem:s22+$0xFFFFFFD0] =	vst v5;
	v5 =	vld [tilespmem:s22+$0xFFFFFFE0]  }
0xac: {  	v2 =	vadd.f32 v2, v8;
	v6 =	vld [tilespmem:s19+$0x50]  }
0xad: {  	v7 =	vld [tilespmem:s22+$0xFFFFFE60]  }
0xae: {  	[tilespmem:s22+$0xFFFFFED0] =	vst v2;
	v2 =	vld [tilespmem:s22+$0xFFFFFEE0];
	v1 =	vadd.f32 v1, v4  }
0xaf: {  	v0 =	vadd.f32 v3, v0;
	v3 =	vld [tilespmem:s19+$0xFFFFFFD0]  }
0xb0: {  	[tilespmem:s22+$0xFFFFFF50] =	vst v1;
	v1 =	vld [tilespmem:s22+$0xFFFFFF60]  }
0xb1: {  	[tilespmem:s22+$0xFFFFFE50] =	vst v0;
	v0 =	vld [tilespmem:s19+$0x10];
	v4 =	vadd.f32 v6, v5  }
0xb2: {  	v5 =	vld [tilespmem:s19+$0xFFFFFF90]  }
0xb3: {  	[tilespmem:s22+$0xFFFFFFE0] =	vst v4;
	v4 =	vld [tilespmem:s22+$0xFFFFFFF0]  }
0xb4: {  	v2 =	vadd.f32 v3, v2;
	v3 =	vld [tilespmem:s19+$0x60]  }
0xb5: {  	v6 =	vld [tilespmem:s22+$0xFFFFFE70]  }
0xb6: {  	[tilespmem:s22+$0xFFFFFEE0] =	vst v2;
	v2 =	vld [tilespmem:s22+$0xFFFFFEF0];
	v0 =	vadd.f32 v0, v1  }
0xb7: {  	v1 =	vadd.f32 v5, v7;
	v5 =	vld [tilespmem:s19+$0xFFFFFFE0]  }
0xb8: {  	[tilespmem:s22+$0xFFFFFF60] =	vst v0;
	v7 =	vld [tilespmem:s22+$0xFFFFFF70]  }
0xb9: {  	[tilespmem:s22+$0xFFFFFE60] =	vst v1;
	v8 =	vld [tilespmem:s19+$0x20];
	v0 =	vadd.f32 v3, v4  }
0xba: {  	v3 =	vld [tilespmem:s19+$0xFFFFFFA0]  }
0xbb: {  	[tilespmem:s22+$0xFFFFFFF0] =	vst v0;
	v9 =	vld [tilespmem:s22+$0x0]  }
0xbc: {  	v1 =	vadd.f32 v5, v2;
	v5 =	vld [tilespmem:s19+$0x70]  }
0xbd: {  	v0 =	vld [tilespmem:s22+$0xFFFFFE80]  }
.Ltmp4:
0xbe: {  	[tilespmem:s22+$0xFFFFFEF0] =	vst v1;
	v1 =	vld [tilespmem:s22+$0xFFFFFF00];
	v2 =	vadd.f32 v8, v7;
	(pc) =	sbr.rel @p0 .LBB2_7-.Ltmp4, $4  }
0xbf: {  	v4 =	vadd.f32 v3, v6;
	v3 =	vld [tilespmem:s19+$0xFFFFFFF0]  }
0xc0: {  	[tilespmem:s22+$0xFFFFFF70] =	vst v2;
	v2 =	vld [tilespmem:s22+$0xFFFFFF80]  }
0xc1: {  	[tilespmem:s22+$0xFFFFFE70] =	vst v4;
	v4 =	vld [tilespmem:s19+$0x30];
	v6 =	vadd.f32 v5, v9  }
0xc2: {  	s22 =	sadd.s32 $0x200, s22;
	v5 =	vld [tilespmem:s19+$0xFFFFFFB0]  }
0xc3: {  	_ = 	snop  }
0xc4: {  	s10 =	sadd.s32 s17, s6  }
0xc5: {  	v1 =	vadd.f32 v3, v1;
	s10 =	smul.u32 $0x640, s10  }
0xc6: {  	[tilespmem:s18+$0x0] =	vst v6;
	v2 =	vadd.f32 v4, v2  }
0xc7: {  	[tilespmem:s18+$0xFFFFFF00] =	vst v1;
	s17 =	sadd.s32 s2, s10;
	v0 =	vadd.f32 v5, v0  }
0xc8: {  	s19 =	simm.s32 $0xAF00;
	s10 =	sadd.s32 $0x640, s17;
	[tilespmem:s18+$0xFFFFFF80] =	vst v2  }
0xc9: {  	s20 =	simm.s32 $0xAF80;
	s22 =	sadd.s32 $0x0, s10;
	[tilespmem:s18+$0xFFFFFE80] =	vst v0;
	s18 =	simm.s32 $0x8  }
.LBB2_9:
0xca: {  	[hbm4b:s22+s3] =	stream.linear.scatter [tilespmem:s19], [sflag:$0x6], $0x40, $0x38;
	[tilespmem:$0x1DB00] =	vst v63  }
0xcb: {  	s22 =	smov.u32 s18;
	s19 =	smov.u32 s20;
	p0 =	sne.s32 s18, $0x638  }
.Ltmp5:
0xcc: {  	s18 =	sadd.s32 $0x8, s18;
	(pc) =	sbr.rel @p0 .LBB2_9-.Ltmp5, $2  }
0xcd: {  	_ =	sdelay $0x2  }
0xce: {  	s20 =	sadd.s32 $0x80, s20;
	s22 =	sadd.s32 s22, s10  }
0xcf: {  	[hbm4b:s22+s3] =	stream.linear.scatter [tilespmem:s19], [sflag:$0x6], $0x40, $0x38;
	[tilespmem:$0x1DB00] =	vst v63  }
0xd0: {  	p0 =	seq.s32 s15, $0x7  }
0xd1: {  	s10 =	smul.u32 @!p0 $0xC80, s15  }
0xd2: {  	_ =	swait.ge [sflag:s29], $0x3200  }
0xd3: {  	s19 =	simm.s32 @!p0 $0x68;
	[sflag:s29] =	ssyncset.done $0x0;
	s18 =	sshra.s32 @!p0 s10, $0x2  }
0xd4: {  	s20 =	simm.s32 @!p0 $0x4B00;
	[sflag:s29] =	ssyncadd.s32 $0xFFFFCE00;
	s10 =	sadd.s32 @!p0 $0x3520, s18  }
0xd5: {  	[tilespmem:s20], [sflag:$0x1] =	stream.indirect.gather @!p0 [hbm4b:s4+s19], $0x80, s10, s19, $0xb8;
	[tilespmem:$0x1DB00] =	vst v63  }
0xd6: {  	s10 =	sadd.s32 @!p0 $0x3588, s18;
	s19 =	simm.s32 @!p0 $0x60;
	s20 =	simm.s32 @!p0 $0x7F00  }
0xd7: {  	[tilespmem:s20], [sflag:$0x1] =	stream.indirect.gather @!p0 [hbm4b:s4+s19], $0x80, s10, s19, $0xb8;
	[tilespmem:$0x1DB00] =	vst v63  }
0xd8: {  	_ =	swait.ge [sflag:s30], $0x6400  }
0xd9: {  	[sflag:s30] =	ssyncset.done $0x0  }
0xda: {  	s19 =	simm.s32 $0x114B0;
	[sflag:s30] =	ssyncadd.s32 $0xFFFF9C00  }
0xdb: {  	s20 =	simm.s32 $0x80;
	v0 =	vld [tilespmem:s19+$0xFFFFFFD0]  }
0xdc: {  	v1 =	vld [tilespmem:s20+$0x40]  }
0xdd: {  	v2 =	vld [tilespmem:s19+$0xFFFFFED0]  }
0xde: {  	v3 =	vld [tilespmem:s20+$0xFFFFFFC0]  }
0xdf: {  	v4 =	vld [tilespmem:s19+$0xFFFFFF50]  }
0xe0: {  	v5 =	vld [tilespmem:s20+$0x0]  }
0xe1: {  	v6 =	vld [tilespmem:s19+$0xFFFFFE50];
	v0 =	vadd.f32 v1, v0  }
0xe2: {  	v1 =	vld [tilespmem:s20+$0xFFFFFF80]  }
0xe3: {  	[tilespmem:s19+$0xFFFFFFD0] =	vst v0;
	v0 =	vld [tilespmem:s19+$0xFFFFFFE0]  }
0xe4: {  	v2 =	vadd.f32 v3, v2;
	v3 =	vld [tilespmem:s20+$0x50]  }
0xe5: {  	v7 =	vld [tilespmem:s19+$0xFFFFFE60]  }
0xe6: {  	[tilespmem:s19+$0xFFFFFED0] =	vst v2;
	v2 =	vadd.f32 v5, v4;
	v4 =	vld [tilespmem:s19+$0xFFFFFEE0]  }
0xe7: {  	v5 =	vld [tilespmem:s20+$0xFFFFFFD0];
	v1 =	vadd.f32 v1, v6  }
0xe8: {  	[tilespmem:s19+$0xFFFFFF50] =	vst v2;
	v2 =	vld [tilespmem:s19+$0xFFFFFF60]  }
0xe9: {  	v6 =	vld [tilespmem:s20+$0x10];
	[tilespmem:s19+$0xFFFFFE50] =	vst v1;
	v0 =	vadd.f32 v3, v0  }
0xea: {  	v1 =	vld [tilespmem:s20+$0xFFFFFF90]  }
0xeb: {  	[tilespmem:s19+$0xFFFFFFE0] =	vst v0;
	v0 =	vld [tilespmem:s19+$0xFFFFFFF0]  }
0xec: {  	v3 =	vadd.f32 v5, v4;
	v4 =	vld [tilespmem:s20+$0x60]  }
0xed: {  	v5 =	vld [tilespmem:s19+$0xFFFFFE70]  }
0xee: {  	[tilespmem:s19+$0xFFFFFEE0] =	vst v3;
	v2 =	vadd.f32 v6, v2;
	v3 =	vld [tilespmem:s19+$0xFFFFFEF0]  }
0xef: {  	v6 =	vld [tilespmem:s20+$0xFFFFFFE0];
	v1 =	vadd.f32 v1, v7  }
0xf0: {  	[tilespmem:s19+$0xFFFFFF60] =	vst v2;
	v2 =	vld [tilespmem:s19+$0xFFFFFF70]  }
0xf1: {  	v7 =	vld [tilespmem:s20+$0x20];
	[tilespmem:s19+$0xFFFFFE60] =	vst v1;
	v0 =	vadd.f32 v4, v0  }
0xf2: {  	v4 =	vld [tilespmem:s20+$0xFFFFFFA0]  }
0xf3: {  	v8 =	vld [tilespmem:s19+$0x0];
	[tilespmem:s19+$0xFFFFFFF0] =	vst v0  }
0xf4: {  	v1 =	vadd.f32 v6, v3;
	v6 =	vld [tilespmem:s20+$0x70]  }
0xf5: {  	v0 =	vld [tilespmem:s19+$0xFFFFFE80]  }
0xf6: {  	[tilespmem:s19+$0xFFFFFEF0] =	vst v1;
	v2 =	vadd.f32 v7, v2;
	v1 =	vld [tilespmem:s19+$0xFFFFFF00]  }
0xf7: {  	v3 =	vld [tilespmem:s20+$0xFFFFFFF0];
	v4 =	vadd.f32 v4, v5  }
0xf8: {  	[tilespmem:s19+$0xFFFFFF70] =	vst v2;
	v2 =	vld [tilespmem:s19+$0xFFFFFF80]  }
0xf9: {  	[tilespmem:s19+$0xFFFFFE70] =	vst v4;
	v4 =	vld [tilespmem:s20+$0x30];
	v6 =	vadd.f32 v6, v8  }
0xfa: {  	s22 =	simm.s32 $0x0;
	s10 =	simm.s32 $0x116B0;
	v5 =	vld [tilespmem:s20+$0xFFFFFFB0]  }
.LBB2_11:
0xfb: {  	v7 =	vld [tilespmem:s10+$0xFFFFFFD0];
	[tilespmem:s19+$0x0] =	vst v6;
	s20 =	sadd.s32 $0x100, s20  }
0xfc: {  	s22 =	sadd.s32 $0x4, s22;
	v6 =	vld [tilespmem:s20+$0x40];
	v1 =	vadd.f32 v3, v1  }
0xfd: {  	p1 =	slt.u32 s22, $0xC4;
	v3 =	vld [tilespmem:s20+$0xFFFFFF80]  }
0xfe: {  	v8 =	vld [tilespmem:s10+$0xFFFFFED0];
	[tilespmem:s19+$0xFFFFFF00] =	vst v1;
	v1 =	vadd.f32 v4, v2  }
0xff: {  	v2 =	vld [tilespmem:s20+$0xFFFFFFC0];
	v0 =	vadd.f32 v5, v0  }
0x100: {  	v4 =	vld [tilespmem:s10+$0xFFFFFF50];
	[tilespmem:s19+$0xFFFFFF80] =	vst v1  }
0x101: {  	v1 =	vld [tilespmem:s20+$0x0];
	v5 =	vadd.f32 v6, v7;
	[tilespmem:s19+$0xFFFFFE80] =	vst v0;
	s19 =	smov.u32 s10  }
0x102: {  	v0 =	vld [tilespmem:s10+$0xFFFFFE50]  }
0x103: {  	[tilespmem:s10+$0xFFFFFFD0] =	vst v5;
	v5 =	vld [tilespmem:s10+$0xFFFFFFE0]  }
0x104: {  	v2 =	vadd.f32 v2, v8;
	v6 =	vld [tilespmem:s20+$0x50]  }
0x105: {  	v7 =	vld [tilespmem:s10+$0xFFFFFE60]  }
0x106: {  	[tilespmem:s10+$0xFFFFFED0] =	vst v2;
	v2 =	vld [tilespmem:s10+$0xFFFFFEE0];
	v1 =	vadd.f32 v1, v4  }
0x107: {  	v0 =	vadd.f32 v3, v0;
	v3 =	vld [tilespmem:s20+$0xFFFFFFD0]  }
0x108: {  	[tilespmem:s10+$0xFFFFFF50] =	vst v1;
	v1 =	vld [tilespmem:s10+$0xFFFFFF60]  }
0x109: {  	[tilespmem:s10+$0xFFFFFE50] =	vst v0;
	v0 =	vld [tilespmem:s20+$0x10];
	v4 =	vadd.f32 v6, v5  }
0x10a: {  	v5 =	vld [tilespmem:s20+$0xFFFFFF90]  }
0x10b: {  	[tilespmem:s10+$0xFFFFFFE0] =	vst v4;
	v4 =	vld [tilespmem:s10+$0xFFFFFFF0]  }
0x10c: {  	v2 =	vadd.f32 v3, v2;
	v3 =	vld [tilespmem:s20+$0x60]  }
0x10d: {  	v6 =	vld [tilespmem:s10+$0xFFFFFE70]  }
0x10e: {  	[tilespmem:s10+$0xFFFFFEE0] =	vst v2;
	v2 =	vld [tilespmem:s10+$0xFFFFFEF0];
	v0 =	vadd.f32 v0, v1  }
0x10f: {  	v1 =	vadd.f32 v5, v7;
	v5 =	vld [tilespmem:s20+$0xFFFFFFE0]  }
0x110: {  	[tilespmem:s10+$0xFFFFFF60] =	vst v0;
	v7 =	vld [tilespmem:s10+$0xFFFFFF70]  }
0x111: {  	[tilespmem:s10+$0xFFFFFE60] =	vst v1;
	v8 =	vld [tilespmem:s20+$0x20];
	v0 =	vadd.f32 v3, v4  }
0x112: {  	v3 =	vld [tilespmem:s20+$0xFFFFFFA0]  }
0x113: {  	[tilespmem:s10+$0xFFFFFFF0] =	vst v0;
	v9 =	vld [tilespmem:s10+$0x0]  }
0x114: {  	v1 =	vadd.f32 v5, v2;
	v5 =	vld [tilespmem:s20+$0x70]  }
0x115: {  	v0 =	vld [tilespmem:s10+$0xFFFFFE80]  }
.Ltmp6:
0x116: {  	[tilespmem:s10+$0xFFFFFEF0] =	vst v1;
	v1 =	vld [tilespmem:s10+$0xFFFFFF00];
	v2 =	vadd.f32 v8, v7;
	(pc) =	sbr.rel @p1 .LBB2_11-.Ltmp6, $4  }
0x117: {  	v4 =	vadd.f32 v3, v6;
	v3 =	vld [tilespmem:s20+$0xFFFFFFF0]  }
0x118: {  	[tilespmem:s10+$0xFFFFFF70] =	vst v2;
	v2 =	vld [tilespmem:s10+$0xFFFFFF80]  }
0x119: {  	[tilespmem:s10+$0xFFFFFE70] =	vst v4;
	v4 =	vld [tilespmem:s20+$0x30];
	v6 =	vadd.f32 v5, v9  }
0x11a: {  	s10 =	sadd.s32 $0x200, s10;
	v5 =	vld [tilespmem:s20+$0xFFFFFFB0]  }
0x11b: {  	_ =	sdelay $0x1  }
0x11c: {  	v1 =	vadd.f32 v3, v1  }
0x11d: {  	[tilespmem:s19+$0x0] =	vst v6;
	v2 =	vadd.f32 v4, v2  }
0x11e: {  	[tilespmem:s19+$0xFFFFFF00] =	vst v1;
	v0 =	vadd.f32 v5, v0  }
0x11f: {  	s10 =	sadd.s32 $0xC80, s17;
	s17 =	simm.s32 $0x11300;
	[tilespmem:s19+$0xFFFFFF80] =	vst v2  }
0x120: {  	s20 =	simm.s32 $0x11380;
	s22 =	sadd.s32 $0x0, s10;
	[tilespmem:s19+$0xFFFFFE80] =	vst v0;
	s19 =	simm.s32 $0x8  }
.LBB2_13:
0x121: {  	[hbm4b:s22+s3] =	stream.linear.scatter [tilespmem:s17], [sflag:$0x7], $0x40, $0x38;
	[tilespmem:$0x1DB00] =	vst v63  }
0x122: {  	s22 =	smov.u32 s19;
	s17 =	smov.u32 s20;
	p1 =	sne.s32 s19, $0x638  }
.Ltmp7:
0x123: {  	s19 =	sadd.s32 $0x8, s19;
	(pc) =	sbr.rel @p1 .LBB2_13-.Ltmp7, $2  }
0x124: {  	_ =	sdelay $0x2  }
0x125: {  	s20 =	sadd.s32 $0x80, s20;
	s22 =	sadd.s32 s22, s10  }
0x126: {  	[hbm4b:s22+s3] =	stream.linear.scatter [tilespmem:s17], [sflag:$0x7], $0x40, $0x38;
	[tilespmem:$0x1DB00] =	vst v63  }
0x127: {  	_ =	swait.ge [sflag:s31], $0x3200  }
0x128: {  	s10 =	sadd.s32 @!p0 $0x35E8, s18;
	[sflag:s31] =	ssyncset.done $0x0  }
0x129: {  	s17 =	simm.s32 @!p0 $0x68;
	s19 =	simm.s32 @!p0 $0xAF00;
	[sflag:s31] =	ssyncadd.s32 $0xFFFFCE00  }
0x12a: {  	[tilespmem:s19], [sflag:$0x2] =	stream.indirect.gather @!p0 [hbm4b:s4+s17], $0x80, s10, s17, $0xb8;
	[tilespmem:$0x1DB00] =	vst v63  }
0x12b: {  	s10 =	sadd.s32 @!p0 $0x3650, s18;
	s17 =	simm.s32 @!p0 $0x60;
	s18 =	simm.s32 @!p0 $0xE300  }
0x12c: {  	[tilespmem:s18], [sflag:$0x2] =	stream.indirect.gather @!p0 [hbm4b:s4+s17], $0x80, s10, s17, $0xb8;
	[tilespmem:$0x1DB00] =	vst v63  }
0x12d: {  	_ =	swait.ge [sflag:s1], $0x6400  }
0x12e: {  	[sflag:s1] =	ssyncset.done $0x0  }
0x12f: {  	s17 =	simm.s32 $0x178B0;
	[sflag:s1] =	ssyncadd.s32 $0xFFFF9C00  }
0x130: {  	s18 =	simm.s32 $0x80;
	v0 =	vld [tilespmem:s17+$0xFFFFFFD0]  }
0x131: {  	v1 =	vld [tilespmem:s18+$0x40]  }
0x132: {  	v2 =	vld [tilespmem:s17+$0xFFFFFED0]  }
0x133: {  	v3 =	vld [tilespmem:s18+$0xFFFFFFC0]  }
0x134: {  	v4 =	vld [tilespmem:s17+$0xFFFFFF50]  }
0x135: {  	v5 =	vld [tilespmem:s18+$0x0]  }
0x136: {  	v6 =	vld [tilespmem:s17+$0xFFFFFE50];
	v0 =	vadd.f32 v1, v0  }
0x137: {  	v1 =	vld [tilespmem:s18+$0xFFFFFF80]  }
0x138: {  	[tilespmem:s17+$0xFFFFFFD0] =	vst v0;
	v0 =	vld [tilespmem:s17+$0xFFFFFFE0]  }
0x139: {  	v2 =	vadd.f32 v3, v2;
	v3 =	vld [tilespmem:s18+$0x50]  }
0x13a: {  	v7 =	vld [tilespmem:s17+$0xFFFFFE60]  }
0x13b: {  	[tilespmem:s17+$0xFFFFFED0] =	vst v2;
	v2 =	vadd.f32 v5, v4;
	v4 =	vld [tilespmem:s17+$0xFFFFFEE0]  }
0x13c: {  	v5 =	vld [tilespmem:s18+$0xFFFFFFD0];
	v1 =	vadd.f32 v1, v6  }
0x13d: {  	[tilespmem:s17+$0xFFFFFF50] =	vst v2;
	v2 =	vld [tilespmem:s17+$0xFFFFFF60]  }
0x13e: {  	v6 =	vld [tilespmem:s18+$0x10];
	[tilespmem:s17+$0xFFFFFE50] =	vst v1;
	v0 =	vadd.f32 v3, v0  }
0x13f: {  	v1 =	vld [tilespmem:s18+$0xFFFFFF90]  }
0x140: {  	[tilespmem:s17+$0xFFFFFFE0] =	vst v0;
	v0 =	vld [tilespmem:s17+$0xFFFFFFF0]  }
0x141: {  	v3 =	vadd.f32 v5, v4;
	v4 =	vld [tilespmem:s18+$0x60]  }
0x142: {  	v5 =	vld [tilespmem:s17+$0xFFFFFE70]  }
0x143: {  	[tilespmem:s17+$0xFFFFFEE0] =	vst v3;
	v2 =	vadd.f32 v6, v2;
	v3 =	vld [tilespmem:s17+$0xFFFFFEF0]  }
0x144: {  	v6 =	vld [tilespmem:s18+$0xFFFFFFE0];
	v1 =	vadd.f32 v1, v7  }
0x145: {  	[tilespmem:s17+$0xFFFFFF60] =	vst v2;
	v2 =	vld [tilespmem:s17+$0xFFFFFF70]  }
0x146: {  	v7 =	vld [tilespmem:s18+$0x20];
	[tilespmem:s17+$0xFFFFFE60] =	vst v1;
	v0 =	vadd.f32 v4, v0  }
0x147: {  	v4 =	vld [tilespmem:s18+$0xFFFFFFA0]  }
0x148: {  	v8 =	vld [tilespmem:s17+$0x0];
	[tilespmem:s17+$0xFFFFFFF0] =	vst v0  }
0x149: {  	v1 =	vadd.f32 v6, v3;
	v6 =	vld [tilespmem:s18+$0x70]  }
0x14a: {  	v0 =	vld [tilespmem:s17+$0xFFFFFE80]  }
0x14b: {  	[tilespmem:s17+$0xFFFFFEF0] =	vst v1;
	v2 =	vadd.f32 v7, v2;
	v1 =	vld [tilespmem:s17+$0xFFFFFF00]  }
0x14c: {  	v3 =	vld [tilespmem:s18+$0xFFFFFFF0];
	v4 =	vadd.f32 v4, v5  }
0x14d: {  	[tilespmem:s17+$0xFFFFFF70] =	vst v2;
	v2 =	vld [tilespmem:s17+$0xFFFFFF80]  }
0x14e: {  	[tilespmem:s17+$0xFFFFFE70] =	vst v4;
	v4 =	vld [tilespmem:s18+$0x30];
	v6 =	vadd.f32 v6, v8  }
0x14f: {  	s19 =	simm.s32 $0x0;
	s10 =	simm.s32 $0x17AB0;
	v5 =	vld [tilespmem:s18+$0xFFFFFFB0]  }
.LBB2_15:
0x150: {  	v7 =	vld [tilespmem:s10+$0xFFFFFFD0];
	[tilespmem:s17+$0x0] =	vst v6;
	s18 =	sadd.s32 $0x100, s18  }
0x151: {  	s19 =	sadd.s32 $0x4, s19;
	v6 =	vld [tilespmem:s18+$0x40];
	v1 =	vadd.f32 v3, v1  }
0x152: {  	p1 =	slt.u32 s19, $0xC4;
	v3 =	vld [tilespmem:s18+$0xFFFFFF80]  }
0x153: {  	v8 =	vld [tilespmem:s10+$0xFFFFFED0];
	[tilespmem:s17+$0xFFFFFF00] =	vst v1;
	v1 =	vadd.f32 v4, v2  }
0x154: {  	v2 =	vld [tilespmem:s18+$0xFFFFFFC0];
	v0 =	vadd.f32 v5, v0  }
0x155: {  	v4 =	vld [tilespmem:s10+$0xFFFFFF50];
	[tilespmem:s17+$0xFFFFFF80] =	vst v1  }
0x156: {  	v1 =	vld [tilespmem:s18+$0x0];
	v5 =	vadd.f32 v6, v7;
	[tilespmem:s17+$0xFFFFFE80] =	vst v0;
	s17 =	smov.u32 s10  }
0x157: {  	v0 =	vld [tilespmem:s10+$0xFFFFFE50]  }
0x158: {  	[tilespmem:s10+$0xFFFFFFD0] =	vst v5;
	v5 =	vld [tilespmem:s10+$0xFFFFFFE0]  }
0x159: {  	v2 =	vadd.f32 v2, v8;
	v6 =	vld [tilespmem:s18+$0x50]  }
0x15a: {  	v7 =	vld [tilespmem:s10+$0xFFFFFE60]  }
0x15b: {  	[tilespmem:s10+$0xFFFFFED0] =	vst v2;
	v2 =	vld [tilespmem:s10+$0xFFFFFEE0];
	v1 =	vadd.f32 v1, v4  }
0x15c: {  	v0 =	vadd.f32 v3, v0;
	v3 =	vld [tilespmem:s18+$0xFFFFFFD0]  }
0x15d: {  	[tilespmem:s10+$0xFFFFFF50] =	vst v1;
	v1 =	vld [tilespmem:s10+$0xFFFFFF60]  }
0x15e: {  	[tilespmem:s10+$0xFFFFFE50] =	vst v0;
	v0 =	vld [tilespmem:s18+$0x10];
	v4 =	vadd.f32 v6, v5  }
0x15f: {  	v5 =	vld [tilespmem:s18+$0xFFFFFF90]  }
0x160: {  	[tilespmem:s10+$0xFFFFFFE0] =	vst v4;
	v4 =	vld [tilespmem:s10+$0xFFFFFFF0]  }
0x161: {  	v2 =	vadd.f32 v3, v2;
	v3 =	vld [tilespmem:s18+$0x60]  }
0x162: {  	v6 =	vld [tilespmem:s10+$0xFFFFFE70]  }
0x163: {  	[tilespmem:s10+$0xFFFFFEE0] =	vst v2;
	v2 =	vld [tilespmem:s10+$0xFFFFFEF0];
	v0 =	vadd.f32 v0, v1  }
0x164: {  	v1 =	vadd.f32 v5, v7;
	v5 =	vld [tilespmem:s18+$0xFFFFFFE0]  }
0x165: {  	[tilespmem:s10+$0xFFFFFF60] =	vst v0;
	v7 =	vld [tilespmem:s10+$0xFFFFFF70]  }
0x166: {  	[tilespmem:s10+$0xFFFFFE60] =	vst v1;
	v8 =	vld [tilespmem:s18+$0x20];
	v0 =	vadd.f32 v3, v4  }
0x167: {  	v3 =	vld [tilespmem:s18+$0xFFFFFFA0]  }
0x168: {  	[tilespmem:s10+$0xFFFFFFF0] =	vst v0;
	v9 =	vld [tilespmem:s10+$0x0]  }
0x169: {  	v1 =	vadd.f32 v5, v2;
	v5 =	vld [tilespmem:s18+$0x70]  }
0x16a: {  	v0 =	vld [tilespmem:s10+$0xFFFFFE80]  }
.Ltmp8:
0x16b: {  	[tilespmem:s10+$0xFFFFFEF0] =	vst v1;
	v1 =	vld [tilespmem:s10+$0xFFFFFF00];
	v2 =	vadd.f32 v8, v7;
	(pc) =	sbr.rel @p1 .LBB2_15-.Ltmp8, $4  }
0x16c: {  	v4 =	vadd.f32 v3, v6;
	v3 =	vld [tilespmem:s18+$0xFFFFFFF0]  }
0x16d: {  	[tilespmem:s10+$0xFFFFFF70] =	vst v2;
	v2 =	vld [tilespmem:s10+$0xFFFFFF80]  }
0x16e: {  	[tilespmem:s10+$0xFFFFFE70] =	vst v4;
	v4 =	vld [tilespmem:s18+$0x30];
	v6 =	vadd.f32 v5, v9  }
0x16f: {  	s10 =	sadd.s32 $0x200, s10;
	v5 =	vld [tilespmem:s18+$0xFFFFFFB0]  }
0x170: {  	_ =	sdelay $0x1  }
0x171: {  	s10 =	sadd.s32 s6, s16;
	v1 =	vadd.f32 v3, v1  }
0x172: {  	[tilespmem:s17+$0x0] =	vst v6;
	s10 =	smul.u32 $0x640, s10;
	v2 =	vadd.f32 v4, v2  }
0x173: {  	[tilespmem:s17+$0xFFFFFF00] =	vst v1;
	v0 =	vadd.f32 v5, v0  }
0x174: {  	s16 =	simm.s32 $0x17700;
	s10 =	sadd.s32 s2, s10;
	[tilespmem:s17+$0xFFFFFF80] =	vst v2  }
0x175: {  	s18 =	simm.s32 $0x17780;
	s19 =	sadd.s32 $0x0, s10;
	[tilespmem:s17+$0xFFFFFE80] =	vst v0;
	s17 =	simm.s32 $0x8  }
.LBB2_17:
0x176: {  	[hbm4b:s19+s3] =	stream.linear.scatter [tilespmem:s16], [sflag:$0x8], $0x40, $0x38;
	[tilespmem:$0x1DB00] =	vst v63  }
0x177: {  	s19 =	smov.u32 s17;
	s16 =	smov.u32 s18;
	p1 =	sne.s32 s17, $0x638  }
.Ltmp9:
0x178: {  	s17 =	sadd.s32 $0x8, s17;
	(pc) =	sbr.rel @p1 .LBB2_17-.Ltmp9, $2  }
0x179: {  	_ =	sdelay $0x2  }
0x17a: {  	s18 =	sadd.s32 $0x80, s18;
	s19 =	sadd.s32 s19, s10  }
.Ltmp10:
0x17b: {  	(pc) =	sbr.rel @p0 .LBB2_20-.Ltmp10, $4  }
0x17c: {  	[hbm4b:s19+s3] =	stream.linear.scatter [tilespmem:s16], [sflag:$0x8], $0x40, $0x38;
	[tilespmem:$0x1DB00] =	vst v63  }
0x17d: {  	_ =	swait.ge [sflag:s0], $0x3200  }
0x17e: {  	[sflag:s0] =	ssyncset.done $0x0  }
0x17f: {  	[sflag:s0] =	ssyncadd.s32 $0xFFFFCE00  }
0x180: {  	s10 =	smul.u32 $0xC80, s15;
	_ =	sdelay $0x1  }
.Ltmp11:
0x181: {  	s10 =	sshra.s32 s10, $0x2;
	(pc) =	sbr.rel .LBB2_2-.Ltmp11, $4  }
0x182: {  	s16 =	sadd.s32 $0x36B0, s10  }
0x183: {  	[tilespmem:s21], [sflag:$0x3] =	stream.indirect.gather [hbm4b:s4+s11], $0x80, s16, s11, $0xb8;
	[tilespmem:$0x1DB00] =	vst v63  }
0x184: {  	s15 =	sadd.s32 $0x1, s15;
	s10 =	sadd.s32 $0x3718, s10  }
0x185: {  	[tilespmem:s23], [sflag:$0x3] =	stream.indirect.gather [hbm4b:s4+s13], $0x80, s10, s13, $0xb8;
	[tilespmem:$0x1DB00] =	vst v63  }
.LBB2_21:
0x186: {  	_ =	sfence.sel $0x180000  }
0x187: {  	[bflag:$0x0] =	sbarrier.arrive $0xFFFF  }
0x188: {  	_ =	strace $0x90000047  }
0x189: {  	s0 =	stileid.u32;
	[bflag:$0x2] =	sbarrier.arrive $0xFFFF  }
0x18a: {  	p0 =	sne.s32 s0, $0x0;
	s0 =	rddreg [dreg:$0x2]  }
0x18b: {  	s0 =	sadd.s32 @!p0 $0x100000, s0  }
0x18c: {  	[sflag:s0] =	ssyncadd.tile.s32 @!p0 $0x1;
	_ =	shalt  }
.Lfunc_end2:
_tile_overlayer_lowered:
.L_overlay_start_2:
0x18d: {  	(tag) =	ssettag $0x2  }
0x18e: {  	s0 =	rddreg [dreg:$0x0];
	s2 =	stileid.u32  }
0x18f: {  	s1 =	rddreg [dreg:$0x1];
	p0 =	sne.s32 s2, $0x0  }
0x190: {  	s3 =	rddreg [dreg:$0x2];
	[bflag:$0x3] =	sbarrier.arrive $0xFFFF;
	s2 =	simm.s32 @!p0 $0x1C09  }
0x191: {  	[timem:s3], [sflag:s2] =	dma.local @!p0 [hbm:s0], s1  }
0x192: {  	s0 =	simm.s32 @!p0 $0x9  }
0x193: {  	_ =	swait.ge @!p0 [sflag:s0], s1  }
0x194: {  	s1 =	ssub.s32 @!p0 $0x0, s1;
	[sflag:s0] =	ssyncset.done @!p0 $0x0  }
0x195: {  	[sflag:s0] =	ssyncadd.s32 @!p0 s1  }
0x196: {  	[bflag:$0x3] =	sbarrier.arrive $0xFFFF  }
0x197: {  	_ =	shalt  }

// kernel: sparse-core-data-format-call.cloned.1.call-start
scs
called_computation_lowered:
.L_overlay_start_0:
0x0: {  	s2 =	sld [smem:$0x3FD9]  }
0x1: {  	s3 =	sld [smem:$0x3FFE];
	_ =	sdelay $0x1  }
0x2: {  	s1 =	srdreg.scid  }
0x3: {  	s0 =	sand.u32 $0x1, s1  }
0x4: {  	s18 =	sshll.u32 s0, $0xA;
	s2 =	sadd.s32 s3, s2  }
0x5: {  	s2 =	sadd.s32 s2, s18  }
0x6: {  	[smem:$0x3FC6] =	sst s2  }
0x7: {  	_ = 	snop  }
0x8: {  	s2 =	sld [smem:$0x3FD0];
	(tm) =	ssettm $0x1  }
0x9: {  	s19 =	sld [smem:$0x3FFB];
	_ =	sdelay $0x3  }
0xa: {  	_ =	strace s19  }
0xb: {  	s3 =	sld [smem:$0x3FFC];
	_ =	sdelay $0x3  }
0xc: {  	_ =	strace s3  }
0xd: {  	s3 =	sld [smem:$0x3FFD];
	_ =	sdelay $0x3  }
0xe: {  	_ =	strace s3  }
0xf: {  	_ =	strace $0x8FFFFFFF  }
0x10: {  	s20 =	sld [smem:$0x3FDB];
	_ =	sdelay $0x1  }
0x11: {  	s4 =	simm.s32 $_scs_section_size  }
0x12: {  	s5 =	simm.s32 $_size__tile_overlayer_lowered;
	s6 =	simm.s32 $_tile_overlayer_lowered  }
0x13: {  	s23 =	simm.s32 $0x1BFF;
	s22 =	sshll.u32 s6, $0x1;
	s3 =	sadd.s32 s4, s20  }
0x14: {  	s7 =	simm.s32 $0x0;
	s21 =	sshll.u32 s5, $0x1;
	s5 =	sadd.s32 s22, s3  }
0x15: {  	[timem:s7], [sflag:s23] =	dma.local [hbm:s5], s21  }
0x16: {  	_ =	swait.ge [sflag:s23], s21  }
0x17: {  	s4 =	ssub.s32 $0x0, s21;
	[sflag:s23] =	ssyncset.done $0x0  }
0x18: {  	[sflag:s23] =	ssyncadd.s32 s4;
	_ =	sdelay $0x1  }
0x19: {  	s24 =	simm.s32 $0x1B8B  }
0x1a: {  	_ =	swait.ge [sflag:s24], $0x1  }
0x1b: {  	[sflag:s24] =	ssyncset.done $0x0  }
0x1c: {  	s26 =	simm.s32 $0x1B8E;
	s25 =	sld [smem:$0x3FFE];
	[sflag:s24] =	ssyncadd.s32 $0xFFFFFFFF  }
0x1d: {  	s27 =	simm.s32 $execute0_lowered;
	[smem:$0x3FD2] =	sst s26  }
0x1e: {  	s5 =	sshll.u32 s27, $0x1;
	_ =	strace $0x80000049;
	[dreg:$0x1] =	wrdreg $0xFFFFFFFF  }
0x1f: {  	s28 =	simm.s32 $_size_execute0_lowered;
	s3 =	sadd.s32 s3, s5;
	[dreg:$0x0] =	wrdreg $0x0  }
0x20: {  	s5 =	sshll.u32 s28, $0x1;
	[dreg:$0x2] =	wrdreg s3  }
0x21: {  	[dreg:$0x3] =	wrdreg s5  }
0x22: {  	[dreg:$0x4] =	wrdreg $0xC0  }
0x23: {  	_ =	task [dreg:s7], $0x5FFFF  }
0x24: {  	[dreg:$0x1] =	wrdreg $0xFFFFFFFF  }
0x25: {  	[dreg:$0x0] =	wrdreg $0x60  }
0x26: {  	[dreg:$0x2] =	wrdreg s25  }
0x27: {  	[dreg:$0x3] =	wrdreg s2  }
0x28: {  	[dreg:$0x4] =	wrdreg $0x9  }
0x29: {  	_ =	task.clear_ibuf [dreg:s7], $0x5FFFF;
	_ =	strace $0x90000049  }
0x2a: {  	s29 =	simm.s32 $0x9;
	_ =	strace $0x8000004B  }
0x2b: {  	_ =	swait.ge [sflag:s29], $0x1  }
0x2c: {  	[sflag:s29] =	ssyncadd.s32 $0xFFFFFFFF  }
0x2d: {  	_ =	strace $0x9000004B  }
0x2e: {  	_ =	sfence  }
0x2f: {  	s30 =	sld [smem:$0x0];
	_ =	sdelay $0x2  }
0x30: {  	s31 =	sshll.u32 s1, $0xD;
	s1 =	sshrl.u32 s1, $0x2  }
0x31: {  	s3 =	sand.u32 $0x4000, s31;
	s1 =	sadd.s32 s1, s30  }
0x32: {  	s0 =	sor.u32 s3, s0;
	s1 =	sshll.u32 s1, $0x11  }
0x33: {  	s0 =	sor.u32 s1, s0  }
0x34: {  	s0 =	sadd.s32 $0x8F2B, s0  }
0x35: {  	[sflag:s0] =	ssyncadd.remote.s32 $0x1  }
0x36: {  	_ =	sfence.sel $0xFFFF  }
0x37: {  	[dreg:$0x0] =	wrdreg $0xFFFFFFFF;
	(pc) =	sbr.abs _section_cstart, $3  }
0x38: {  	[dreg:$0x1] =	wrdreg $0xFFFFFFFF  }
0x39: {  	_ =	task.clear_ibuf [dreg:s7], $0x2FFFF;
	_ =	strace $0x9FFFFFFF  }
0x3a: {  	(tm) =	ssettm $0x7FFFFFFF  }
0x3b: {  	_ =	shalt  }
tec
execute0_lowered:
.L_overlay_start_1:
0x0: {  	(tag) =	ssettag $0x1  }
0x1: {  	s0 =	stileid.u32;
	s6 =	rddreg [dreg:$0x0]  }
0x2: {  	s2 =	rddreg [dreg:$0x1];
	s5 =	srdreg.scid  }
0x3: {  	s31 =	simm.s32 $0x2;
	s13 =	simm.s32 $0x0;
	s1 =	sshll.u32 s0, $0x7  }
0x4: {  	s14 =	simm.s32 $0x0;
	s12 =	simm.s32 $0x0;
	s3 =	sand.u32 $0x380, s1  }
0x5: {  	s5 =	sshll.u32 s5, $0x4;
	s6 =	sadd.s32 $0xC00, s6;
	s4 =	ssub.s32 $0x400, s3  }
0x6: {  	s1 =	rddreg [dreg:$0x2];
	_ =	strace $0x8000004A;
	s7 =	sand.u32 $0x380, s4  }
0x7: {  	s5 =	sand.u32 $0x10, s5;
	p0 =	sne.s32 s7, $0x0;
	s7 =	simm.s32 $0x1  }
.Ltmp0:
0x8: {  	s8 =	sshrl.u32 s4, $0xA;
	s7 =	simm.s32 @!p0 $0x0;
	(pc) =	sbr.rel .LBB1_1-.Ltmp0, $4  }
0x9: {  	s9 =	sor.u32 s0, s5;
	s4 =	simm.s32 $0x1;
	s30 =	sadd.s32 s7, s8  }
0xa: {  	s11 =	smov.u32 s3;
	[sflag:s4] =	ssyncpa.u1 $0x0;
	s5 =	smul.u32 $0x32, s30  }
0xb: {  	[sflag:s31] =	ssyncpa.u1 $0x0;
	p0 =	por $0x0, $0x0;
	s7 =	sshrl.u32 s9, $0x3  }
0xc: {  	s9 =	simm.s32 $0x2000;
	s10 =	smov.u32 s7;
	s8 =	sor.u32 $0x1, s5  }
.LBB1_4:
0xd: {  	s17 =	sand.u32 $0x1F80, s14;
	s13 =	sshll.u32 s13, $0xD  }
0xe: {  	[tilespmem:s16+$0x810 ss:$0x81] =	vst.msk $0xffff, v2;
	s18 =	sshrl.u32 s14, $0x3;
	s31 =	sand.u32 $0x7, s14;
	s17 =	sadd.s32 s2, s17  }
0xf: {  	[tilespmem:s16+$0x1020 ss:$0x81] =	vst.msk $0xffff, v0;
	s18 =	sand.u32 $0xF, s18;
	s14 =	sshll.u32 s31, $0x12;
	s13 =	sadd.s32 s13, s17  }
0x10: {  	[tilespmem:s16+$0x0 ss:$0x81] =	vst.msk $0xffff, v1;
	s14 =	sor.u32 $0x400, s14;
	s13 =	sadd.s32 s18, s13  }
0x11: {  	[hbm4b:s13+s14] =	stream.strided.scatter [tilespmem:s15], [sflag:$0x2], $0x2000, s9, s14, $0x20;
	[tilespmem:$0x8080] =	vst v63  }
.LBB1_5:
0x12: {  	s15 =	sadd.s32 $0x4, s10  }
0x13: {  	s13 =	sadd.s32 $0x400, s11;
	s17 =	smov.u32 s11;
	p2 =	sgt.s32 s15, $0xC7  }
0x14: {  	s17 =	smov.u32 @p2 s13  }
0x15: {  	s15 =	smov.u32 @p2 s7;
	p2 =	sgt.s32 s17, $0x3FF  }
0x16: {  	s17 =	smov.u32 @p2 s3;
	p2 =	sne.s32 s12, s8  }
.Ltmp1:
0x17: {  	p1 =	slt.u32 s12, $0x2;
	(pc) =	sbr.rel @!p2 .LBB1_6-.Ltmp1, $4  }
0x18: {  	s16 =	simm.s32 @!p1 $0x2  }
0x19: {  	s14 =	smov.u32 s11;
	p0 =	por !p0, !p0;
	_ =	swait.ge @!p1 [sflag:s16], $0x2000  }
0x1a: {  	s13 =	smov.u32 s10;
	[sflag:s16] =	ssyncset.done @!p1 $0x0;
	s10 =	smov.u32 s15  }
0x1b: {  	s12 =	sadd.s32 $0x1, s12;
	[sflag:s16] =	ssyncadd.s32 @!p1 $0xFFFFE000;
	s11 =	smov.u32 s17  }
.LBB1_1:
0x1c: {  	p1 =	sge.u32 s12, s5  }
0x1d: {  	s15 =	sand.u32 @!p1 $0x1FFFFFF, s10  }
0x1e: {  	s16 =	smulhi.u32 @!p1 $0x147AE15, s15;
	_ =	sdelay $0x1  }
0x1f: {  	s16 =	smul.u32 @!p1 $0xC8, s16  }
0x20: {  	s17 =	sxor.u32 @!p1 $0xFFFFFFFF, s12;
	s18 =	smul.u32 @!p1 $0xC80, s11  }
0x21: {  	s31 =	sadd.s32 $0xFFFFFFFF, s12;
	s17 =	sshll.u32 @!p1 s17, $0xD;
	s15 =	ssub.s32 @!p1 s15, s16  }
0x22: {  	s16 =	sand.u32 @!p1 $0x2000, s17;
	s17 =	sadd.s32 @!p1 s6, s18;
	s15 =	sshll.u32 @!p1 s15, $0x4  }
0x23: {  	s18 =	simm.s32 @!p1 $0x6400;
	s15 =	sadd.s32 @!p1 s15, s17;
	s17 =	simm.s32 @!p1 $0x40  }
0x24: {  	[tilespmem:s16], [sflag:$0x1] =	stream.strided.gather @!p1 [hbm4b:s15+s17], $0x2000, s18, s17, $0x38;
	[tilespmem:$0x8080] =	vst v63  }
0x25: {  	p1 =	sge.u32 s31, s5  }
.Ltmp2:
0x26: {  	_ = 	snop;
	(pc) =	sbr.rel @p1 .LBB1_5-.Ltmp2, $1  }
0x27: {  	_ =	sdelay $0x3  }
0x28: {  	s15 =	simm.s32 $0x1  }
0x29: {  	_ =	swait.ge [sflag:s4], $0x2000;
	s15 =	simm.s32 @!p0 $0x0  }
0x2a: {  	[sflag:s4] =	ssyncset.done $0x0;
	s16 =	sshll.u32 s15, $0xD  }
0x2b: {  	[sflag:s4] =	ssyncadd.s32 $0xFFFFE000;
	s19 =	sor.u32 $0x20, s16  }
0x2c: {  	s15 =	smul.u32 $0x8100, s15;
	v3 =	vld [tilespmem:s19+$0x10]  }
0x2d: {  	s30 =	sand.u32 $0x1, s12;
	v2 =	vld [tilespmem:s19+$0xFFFFFFF0]  }
0x2e: {  	s16 =	smul.u32 $0x8100, s30;
	s15 =	sshrl.u32 s15, $0x2;
	v0 =	vld [tilespmem:s19+$0x0]  }
0x2f: {  	v1 =	vld [tilespmem:s19+$0xFFFFFFE0];
	s17 =	sor.u32 $0x4000, s15  }
0x30: {  	s31 =	sshrl.u32 s16, $0x2;
	s16 =	sadd.s32 $0x0, s17  }
0x31: {  	s18 =	simm.s32 $0x4;
	s19 =	sadd.s32 $0x40, s19;
	s15 =	sor.u32 $0x4000, s31;
	[tilespmem:s16+$0x1830 ss:$0x81] =	vst.msk $0xffff, v3  }
.LBB1_3:
0x32: {  	v3 =	vld [tilespmem:s19+$0x10];
	p1 =	sne.s32 s18, $0x1FC;
	[tilespmem:s16+$0x810 ss:$0x81] =	vst.msk $0xffff, v2;
	s20 =	smov.u32 s18;
	s18 =	sadd.s32 $0x4, s18  }
.Ltmp3:
0x33: {  	v2 =	vld [tilespmem:s19+$0xFFFFFFF0];
	[tilespmem:s16+$0x1020 ss:$0x81] =	vst.msk $0xffff, v0;
	(pc) =	sbr.rel @p1 .LBB1_3-.Ltmp3, $4  }
0x34: {  	v0 =	vld [tilespmem:s19+$0x0];
	[tilespmem:s16+$0x0 ss:$0x81] =	vst.msk $0xffff, v1  }
0x35: {  	s16 =	sshra.s32 s20, $0x2;
	v1 =	vld [tilespmem:s19+$0xFFFFFFE0]  }
0x36: {  	s16 =	sadd.s32 s16, s17  }
0x37: {  	s19 =	sadd.s32 $0x40, s19;
	[tilespmem:s16+$0x1830 ss:$0x81] =	vst.msk $0xffff, v3  }
.Ltmp4:
0x38: {  	_ = 	snop;
	(pc) =	sbr.rel .LBB1_4-.Ltmp4, $1  }
0x39: {  	_ =	sdelay $0x3  }
.LBB1_6:
0x3a: {  	_ =	sfence.sel $0x180000  }
0x3b: {  	s2 =	simm.s32 $0x1;
	[bflag:$0x0] =	sbarrier.arrive $0xFFFF  }
0x3c: {  	s31 =	simm.s32 $0x2;
	[sflag:s2] =	ssyncpa.u1 $0x1  }
0x3d: {  	[sflag:s31] =	ssyncpa.u1 $0x1  }
0x3e: {  	p0 =	sne.s32 s0, $0x0;
	_ =	strace $0x9000004A  }
0x3f: {  	s0 =	sadd.s32 @!p0 $0x100000, s1;
	[bflag:$0x2] =	sbarrier.arrive $0xFFFF  }
0x40: {  	[sflag:s0] =	ssyncadd.tile.s32 @!p0 $0x1;
	_ =	shalt  }
.Lfunc_end1:
_tile_overlayer_lowered:
.L_overlay_start_2:
0x41: {  	(tag) =	ssettag $0x2  }
0x42: {  	s0 =	rddreg [dreg:$0x0];
	s2 =	stileid.u32  }
0x43: {  	s1 =	rddreg [dreg:$0x1];
	p0 =	sne.s32 s2, $0x0  }
0x44: {  	s3 =	rddreg [dreg:$0x2];
	[bflag:$0x3] =	sbarrier.arrive $0xFFFF;
	s2 =	simm.s32 @!p0 $0x1C01  }
0x45: {  	[timem:s3], [sflag:s2] =	dma.local @!p0 [hbm:s0], s1  }
0x46: {  	s0 =	simm.s32 @!p0 $0x1  }
0x47: {  	_ =	swait.ge @!p0 [sflag:s0], s1  }
0x48: {  	s1 =	ssub.s32 @!p0 $0x0, s1;
	[sflag:s0] =	ssyncset.done @!p0 $0x0  }
0x49: {  	[sflag:s0] =	ssyncadd.s32 @!p0 s1  }
0x4a: {  	[bflag:$0x3] =	sbarrier.arrive $0xFFFF  }
0x4b: {  	_ =	shalt  }

</sc_bundles>
